<compile_context>
chip_gen: v7x
topology: tpu7x:2x2x1
jax: 0.10.2.dev20260603
libtpu: 0.0.44.dev20260713+nightly
codegen_flags: <defaults>
</compile_context>

<pallas_src>
import functools

import jax
import jax.numpy as jnp
from jax import lax
from jax.experimental import pallas as pl
from jax.experimental.pallas import tpu as pltpu
from jax.experimental.pallas import tpu_sc as plsc

NC = 2
NS = 16
L = 16
NW = NC * NS



@functools.partial(jax.jit, static_argnums=(3, 4, 5, 6))
def _sc_segsum(src_flat, dst_flat, table, n_pad, blocks_c0, blocks_c1,
               with_counts):
    d = table.shape[1]
    bsz = 128
    zrows = n_pad // NS
    nz = zrows // bsz
    zrem = zrows % bsz

    mesh = plsc.VectorSubcoreMesh(
        core_axis_name="c", subcore_axis_name="s", num_cores=NC, num_subcores=NS)

    out_type = [jax.ShapeDtypeStruct((NC, n_pad, d), jnp.float32)]
    scratch = [
        pltpu.VMEM((bsz,), jnp.int32),
        pltpu.VMEM((bsz,), jnp.int32),
        pltpu.VMEM((bsz,), jnp.int32),
        pltpu.VMEM((bsz,), jnp.int32),
        pltpu.VMEM((bsz, d), jnp.float32),
        pltpu.VMEM((bsz, d), jnp.float32),
        pltpu.VMEM_SHARED((n_pad, d), jnp.float32),
        pltpu.SemaphoreType.DMA,
        pltpu.SemaphoreType.DMA,
    ]
    if with_counts:
        out_type.append(jax.ShapeDtypeStruct((NC, n_pad, d), jnp.float32))

    def body(src_hbm, dst_hbm, tab_hbm, agg_out, *rest):
        if with_counts:
            (cnt_out, src_v0, dst_v0, src_v1, dst_v1, rows_v0, rows_v1,
             agg_sh, sem0, sem1) = rest
        else:
            (src_v0, dst_v0, src_v1, dst_v1, rows_v0, rows_v1,
             agg_sh, sem0, sem1) = rest
        cid = lax.axis_index("c")
        sid = lax.axis_index("s")
        bufs = ((src_v0, dst_v0, rows_v0, sem0),
                (src_v1, dst_v1, rows_v1, sem1))
        base_blk = jnp.where(cid == 0, sid * blocks_c0,
                             NS * blocks_c0 + sid * blocks_c1)
        n_steps = jnp.where(cid == 0, blocks_c0, blocks_c1)

        def zr(i, carry):
            for k in range(d // L):
                rows_v0[i, pl.ds(k * L, L)] = jnp.zeros((L,), jnp.float32)
            return carry
        lax.fori_loop(0, bsz, zr, 0)

        base = sid * zrows
        def zs(k, carry):
            pltpu.sync_copy(rows_v0, agg_sh.at[pl.ds(base + k * bsz, bsz)])
            return carry
        lax.fori_loop(0, nz, zs, 0)
        if zrem:
            pltpu.sync_copy(rows_v0.at[pl.ds(0, zrem)],
                            agg_sh.at[pl.ds(base + nz * bsz, zrem)])

        def _off(j):
            return pl.multiple_of((base_blk + j) * bsz, bsz)

        def _stage_fire(j, b):
            s_v, d_v, r_v, sm = bufs[b]
            off = _off(j)
            pltpu.sync_copy(src_hbm.at[pl.ds(off, bsz)], s_v)
            pltpu.sync_copy(dst_hbm.at[pl.ds(off, bsz)], d_v)
            pltpu.async_copy(tab_hbm.at[s_v], r_v, sm)

        plsc.subcore_barrier()

        _stage_fire(0, 0)
        _stage_fire(1, 1)

        def pair(g, carry):
            for b in range(2):
                j = 2 * g + b
                s_v, d_v, r_v, sm = bufs[b]
                pltpu.make_async_copy(tab_hbm.at[s_v], r_v, sm).wait()
                pltpu.sync_copy(r_v, agg_sh.at[d_v], add=True)

                @pl.when(j + 2 < n_steps)
                def _():
                    _stage_fire(j + 2, b)
            return carry
        lax.fori_loop(0, n_steps // 2, pair, 0)

        plsc.subcore_barrier()

        pltpu.sync_copy(agg_sh.at[pl.ds(base, zrows)],
                        agg_out.at[cid, pl.ds(base, zrows)])

        if with_counts:
            lax.fori_loop(0, bsz, zr, 0)
            lax.fori_loop(0, nz, zs, 0)
            if zrem:
                pltpu.sync_copy(rows_v0.at[pl.ds(0, zrem)],
                                agg_sh.at[pl.ds(base + nz * bsz, zrem)])

            def zo(i, carry):
                for k in range(d // L):
                    rows_v0[i, pl.ds(k * L, L)] = jnp.ones((L,), jnp.float32)
                return carry
            lax.fori_loop(0, bsz, zo, 0)

            pltpu.sync_copy(dst_hbm.at[pl.ds(_off(0), bsz)], dst_v0)
            pltpu.sync_copy(dst_hbm.at[pl.ds(_off(1), bsz)], dst_v1)
            plsc.subcore_barrier()

            pltpu.async_copy(rows_v0, agg_sh.at[dst_v0], sem0, add=True)

            def pair2(g, carry):
                for b in range(2):
                    j = 2 * g + b
                    d_v = (dst_v0, dst_v1)[b]
                    d_n = (dst_v0, dst_v1)[1 - b]
                    sm = (sem0, sem1)[b]
                    sm_n = (sem0, sem1)[1 - b]

                    @pl.when(j < n_steps)
                    def _():
                        @pl.when(j + 1 < n_steps)
                        def _():
                            pltpu.async_copy(rows_v0, agg_sh.at[d_n], sm_n,
                                             add=True)
                        pltpu.make_async_copy(rows_v0, agg_sh.at[d_v],
                                              sm).wait()

                        @pl.when(j + 2 < n_steps)
                        def _():
                            pltpu.sync_copy(
                                dst_hbm.at[pl.ds(_off(j + 2), bsz)], d_v)
                return carry
            lax.fori_loop(0, (n_steps + 1) // 2, pair2, 0)
            plsc.subcore_barrier()

            pltpu.sync_copy(agg_sh.at[pl.ds(base, zrows)],
                            cnt_out.at[cid, pl.ds(base, zrows)])

    k = pl.kernel(body, out_type=out_type, mesh=mesh, scratch_types=scratch)
    return k(src_flat, dst_flat, table)



def _dgT(x, w):
    return lax.dot_general(x, w, (((1,), (1,)), ((), ())),
                           preferred_element_type=jnp.float32)


def _mm_pair(x, wa, wb, b, blk=2000):
    n, d = x.shape
    h = wa.shape[0]

    def body(x_ref, wa_ref, wb_ref, b_ref, o1_ref, o2_ref):
        xb = x_ref[...]
        o1_ref[...] = _dgT(xb, wa_ref[...])
        o2_ref[...] = _dgT(xb, wb_ref[...]) + b_ref[...]

    return pl.pallas_call(
        body,
        grid=(n // blk,),
        in_specs=[pl.BlockSpec((blk, d), lambda i: (i, 0)),
                  pl.BlockSpec((h, d), lambda i: (0, 0)),
                  pl.BlockSpec((h, d), lambda i: (0, 0)),
                  pl.BlockSpec((1, h), lambda i: (0, 0))],
        out_specs=[pl.BlockSpec((blk, h), lambda i: (i, 0)),
                   pl.BlockSpec((blk, h), lambda i: (i, 0))],
        out_shape=[jax.ShapeDtypeStruct((n, h), jnp.float32),
                   jax.ShapeDtypeStruct((n, h), jnp.float32)],
    )(x, wa, wb, b.reshape(1, h))


def _combine(aggp, cnt, xr, ws, b, blk=2000):
    n, h = xr.shape

    def body(agg_ref, cnt_ref, xr_ref, *rest):
        w_refs = rest[:len(ws)]
        b_ref = rest[len(ws)]
        o_refs = rest[len(ws) + 1:]
        feats = agg_ref[0] + agg_ref[1]
        c = cnt_ref[0, :, 0:1] + cnt_ref[1, :, 0:1]
        mean = feats / jnp.maximum(c, 1.0)
        hb = jnp.maximum(mean + xr_ref[...], 0.0)
        for i, (w_ref, o_ref) in enumerate(zip(w_refs, o_refs)):
            r = _dgT(hb, w_ref[...])
            if i == len(ws) - 1:
                r = r + b_ref[...]
            o_ref[...] = r

    in_specs = [pl.BlockSpec((NC, blk, h), lambda i: (0, i, 0)),
                pl.BlockSpec((NC, blk, h), lambda i: (0, i, 0)),
                pl.BlockSpec((blk, h), lambda i: (i, 0))]
    in_specs += [pl.BlockSpec((w.shape[0], h), lambda i: (0, 0)) for w in ws]
    in_specs.append(pl.BlockSpec((1, ws[-1].shape[0]), lambda i: (0, 0)))

    return pl.pallas_call(
        body,
        grid=(n // blk,),
        in_specs=in_specs,
        out_specs=[pl.BlockSpec((blk, w.shape[0]), lambda i: (i, 0)) for w in ws],
        out_shape=[jax.ShapeDtypeStruct((n, w.shape[0]), jnp.float32) for w in ws],
    )(aggp, cnt, xr, *ws, b.reshape(1, -1))



def kernel(x, edge_index, W1l, W1r, b1, W2l, W2r, b2, Wc, bc):
    n, d = x.shape
    e = edge_index.shape[1]

    blocks = -(-e // 128)
    pair_blocks = -(-blocks // NS)
    pair_blocks += pair_blocks % 2

    bc0 = max(2, (pair_blocks // 3) & ~1)
    e_pad = NS * pair_blocks * 128
    n_pad = -(-(n + 1) // (NS * 8)) * (NS * 8)

    src = edge_index[0]
    dst = edge_index[1]
    pad = e_pad - e
    src_flat = jnp.concatenate([src, jnp.zeros((pad,), jnp.int32)])
    dst_flat = jnp.concatenate([dst, jnp.full((pad,), n, jnp.int32)])

    xl1, xr1 = _mm_pair(x, W1l, W1r, b1)
    agg1, cnt = _sc_segsum(src_flat, dst_flat, xl1, n_pad, bc0,
                           pair_blocks - bc0, True)
    xl2, xr2 = _combine(agg1, cnt, xr1, [W2l, W2r], b2)
    agg2 = _sc_segsum(src_flat, dst_flat, xl2, n_pad, bc0,
                      pair_blocks - bc0, False)[0]
    out = _combine(agg2, cnt, xr2, [Wc], bc)[0]
    return out

# --- scband reference (transcript-rebuilt; emitter-appended) ---
"""Pipeline reference for scband-gnnwith-embeddings-19155554140461 (READ-ONLY COPY).

The authoritative reference and input builder live on the scoring server;
editing this copy changes nothing except your own understanding.
"""

import jax, jax.numpy as jnp
import numpy as np

N = 10000
E = 320000
IN = 128
H = 128
OUT = 128


def setup_inputs(seed: int = 0):
    key = jax.random.key(seed)
    ks = jax.random.split(key, 10)
    x = jax.random.normal(ks[0], (N, IN), dtype=jnp.float32)
    edge_index = jax.random.randint(ks[1], (2, E), 0, N, dtype=jnp.int32)
    W1l = jax.random.normal(ks[2], (H, IN), dtype=jnp.float32) * 0.05
    W1r = jax.random.normal(ks[3], (H, IN), dtype=jnp.float32) * 0.05
    b1 = jnp.zeros((H,), dtype=jnp.float32)
    W2l = jax.random.normal(ks[4], (H, H), dtype=jnp.float32) * 0.05
    W2r = jax.random.normal(ks[5], (H, H), dtype=jnp.float32) * 0.05
    b2 = jnp.zeros((H,), dtype=jnp.float32)
    Wc = jax.random.normal(ks[6], (OUT, H), dtype=jnp.float32) * 0.05
    bc = jnp.zeros((OUT,), dtype=jnp.float32)
    return {"x": x, "edge_index": edge_index, "W1l": W1l, "W1r": W1r, "b1": b1,
            "W2l": W2l, "W2r": W2r, "b2": b2, "Wc": Wc, "bc": bc}


def _sage(x, src, dst, Wl, Wr, b):
    # PyG SAGEConv (mean aggregation): out = lin_l(mean_{j->i} x_j) + lin_r(x_i)
    msg = x[src]
    s = jax.ops.segment_sum(msg, dst, num_segments=N)
    c = jax.ops.segment_sum(jnp.ones((src.shape[0],), dtype=x.dtype), dst, num_segments=N)
    mean = s / jnp.clip(c, 1.0)[:, None]
    return mean @ Wl.T + b + x @ Wr.T


def reference(x, edge_index, W1l, W1r, b1, W2l, W2r, b2, Wc, bc):
    src = edge_index[0]
    dst = edge_index[1]
    # eval mode: dropout(p=0.5, training=False) is identity
    h = jax.nn.relu(_sage(x, src, dst, W1l, W1r, b1))
    h = jax.nn.relu(_sage(h, src, dst, W2l, W2r, b2))
    return h @ Wc.T + bc

if __name__ == "__main__":
    import jax
    _d = setup_inputs()
    print(jax.jit(kernel)(*tuple(_d.values())))

</pallas_src>

<mosaic_0001>
#map = affine_map<(d0, d1) -> (0)>
#map1 = affine_map<(d0, d1) -> (0, 0)>
#map2 = affine_map<(d0, d1) -> (0, 0, 0)>
module attributes {stable_mosaic.version = 14 : i64} {
  func.func @body(%arg0: i32, %arg1: i32, %arg2: memref<323584xi32, #tpu.memory_space<hbm>>, %arg3: memref<323584xi32, #tpu.memory_space<hbm>>, %arg4: memref<10000x128xf32, #tpu.memory_space<hbm>>, %arg5: memref<2x10112x128xf32, #tpu.memory_space<hbm>>, %arg6: memref<2x10112x128xf32, #tpu.memory_space<hbm>>, %arg7: memref<128xi32, #tpu.memory_space<vmem>>, %arg8: memref<128xi32, #tpu.memory_space<vmem>>, %arg9: memref<128xi32, #tpu.memory_space<vmem>>, %arg10: memref<128xi32, #tpu.memory_space<vmem>>, %arg11: memref<128x128xf32, #tpu.memory_space<vmem>>, %arg12: memref<128x128xf32, #tpu.memory_space<vmem>>, %arg13: memref<10112x128xf32, #tpu.memory_space<vmem_shared>>, %arg14: memref<!tpu.dma_semaphore, #tpu.memory_space<semaphore_mem>>, %arg15: memref<!tpu.dma_semaphore, #tpu.memory_space<semaphore_mem>>) attributes {dimension_semantics = [#tpu.dimension_semantics<core_parallel>, #tpu.dimension_semantics<subcore_parallel>], iteration_bounds = array<i64: 2, 16>, scalar_prefetch = 0 : i64, scratch_operands = 9 : i64, tpu.core_type = #tpu.core_type<sc_vector_subcore>, window_params = [{transform_indices = #map}, {transform_indices = #map}, {transform_indices = #map1}, {transform_indices = #map2}, {transform_indices = #map2}]} {
    %eq3A = arith.constant 0 : i32
    %eq3A_0 = arith.cmpi eq, %arg0, %eq3A : i32
    %mul3A = arith.constant 52 : i32
    %mul3A_1 = arith.muli %arg1, %mul3A : i32
    %mul3A_2 = arith.constant 106 : i32
    %mul3A_3 = arith.muli %arg1, %mul3A_2 : i32
    %add3A = arith.constant 832 : i32
    %add3A_4 = arith.addi %add3A, %mul3A_3 : i32
    %select_n3A = arith.select %eq3A_0, %mul3A_1, %add3A_4 : i32
    %eq3A_5 = arith.constant 0 : i32
    %eq3A_6 = arith.cmpi eq, %arg0, %eq3A_5 : i32
    %jit3A = arith.constant 52 : i32
    %jit3A_7 = arith.constant 106 : i32
    %select_n3A_8 = arith.select %eq3A_6, %jit3A, %jit3A_7 : i32
    %scan3A = arith.constant 0 : i32
    %scan3A_9 = arith.constant 0 : i32
    %scan3A_10 = arith.constant 128 : i32
    %scan3A_11 = arith.addi %scan3A_9, %scan3A_10 : i32
    %scan3A_12 = arith.constant 1 : i32
    scf.for %scan3A_137 = %scan3A_9 to %scan3A_11 step %scan3A_12  : i32 {
      %broadcast_in_dim3A = arith.constant 0.000000e+00 : f32
      %broadcast_in_dim3A_138 = vector.broadcast %broadcast_in_dim3A : f32 to vector<16xf32>
      %swap3A = arith.index_cast %scan3A_137 : i32 to index
      %swap3A_139 = arith.constant 0 : index
      %swap3A_140 = tpu.vector_load %arg11[%swap3A, %swap3A_139] {strides = array<i32>} : memref<128x128xf32, #tpu.memory_space<vmem>>, vector<1x16xf32>,
      %swap3A_141 = vector.shape_cast %swap3A_140 : vector<1x16xf32> to vector<16xf32>
      %swap3A_142 = vector.shape_cast %broadcast_in_dim3A_138 : vector<16xf32> to vector<1x16xf32>
      tpu.vector_store %arg11[%swap3A, %swap3A_139], %swap3A_142 {strides = array<i32>} : memref<128x128xf32, #tpu.memory_space<vmem>>, vector<1x16xf32>,
      %broadcast_in_dim3A_143 = arith.constant 0.000000e+00 : f32
      %broadcast_in_dim3A_144 = vector.broadcast %broadcast_in_dim3A_143 : f32 to vector<16xf32>
      %swap3A_145 = arith.index_cast %scan3A_137 : i32 to index
      %swap3A_146 = arith.constant 16 : index
      %swap3A_147 = tpu.vector_load %arg11[%swap3A_145, %swap3A_146] {strides = array<i32>} : memref<128x128xf32, #tpu.memory_space<vmem>>, vector<1x16xf32>,
      %swap3A_148 = vector.shape_cast %swap3A_147 : vector<1x16xf32> to vector<16xf32>
      %swap3A_149 = vector.shape_cast %broadcast_in_dim3A_144 : vector<16xf32> to vector<1x16xf32>
      tpu.vector_store %arg11[%swap3A_145, %swap3A_146], %swap3A_149 {strides = array<i32>} : memref<128x128xf32, #tpu.memory_space<vmem>>, vector<1x16xf32>,
      %broadcast_in_dim3A_150 = arith.constant 0.000000e+00 : f32
      %broadcast_in_dim3A_151 = vector.broadcast %broadcast_in_dim3A_150 : f32 to vector<16xf32>
      %swap3A_152 = arith.index_cast %scan3A_137 : i32 to index
      %swap3A_153 = arith.constant 32 : index
      %swap3A_154 = tpu.vector_load %arg11[%swap3A_152, %swap3A_153] {strides = array<i32>} : memref<128x128xf32, #tpu.memory_space<vmem>>, vector<1x16xf32>,
      %swap3A_155 = vector.shape_cast %swap3A_154 : vector<1x16xf32> to vector<16xf32>
      %swap3A_156 = vector.shape_cast %broadcast_in_dim3A_151 : vector<16xf32> to vector<1x16xf32>
      tpu.vector_store %arg11[%swap3A_152, %swap3A_153], %swap3A_156 {strides = array<i32>} : memref<128x128xf32, #tpu.memory_space<vmem>>, vector<1x16xf32>,
      %broadcast_in_dim3A_157 = arith.constant 0.000000e+00 : f32
      %broadcast_in_dim3A_158 = vector.broadcast %broadcast_in_dim3A_157 : f32 to vector<16xf32>
      %swap3A_159 = arith.index_cast %scan3A_137 : i32 to index
      %swap3A_160 = arith.constant 48 : index
      %swap3A_161 = tpu.vector_load %arg11[%swap3A_159, %swap3A_160] {strides = array<i32>} : memref<128x128xf32, #tpu.memory_space<vmem>>, vector<1x16xf32>,
      %swap3A_162 = vector.shape_cast %swap3A_161 : vector<1x16xf32> to vector<16xf32>
      %swap3A_163 = vector.shape_cast %broadcast_in_dim3A_158 : vector<16xf32> to vector<1x16xf32>
      tpu.vector_store %arg11[%swap3A_159, %swap3A_160], %swap3A_163 {strides = array<i32>} : memref<128x128xf32, #tpu.memory_space<vmem>>, vector<1x16xf32>,
      %broadcast_in_dim3A_164 = arith.constant 0.000000e+00 : f32
      %broadcast_in_dim3A_165 = vector.broadcast %broadcast_in_dim3A_164 : f32 to vector<16xf32>
      %swap3A_166 = arith.index_cast %scan3A_137 : i32 to index
      %swap3A_167 = arith.constant 64 : index
      %swap3A_168 = tpu.vector_load %arg11[%swap3A_166, %swap3A_167] {strides = array<i32>} : memref<128x128xf32, #tpu.memory_space<vmem>>, vector<1x16xf32>,
      %swap3A_169 = vector.shape_cast %swap3A_168 : vector<1x16xf32> to vector<16xf32>
      %swap3A_170 = vector.shape_cast %broadcast_in_dim3A_165 : vector<16xf32> to vector<1x16xf32>
      tpu.vector_store %arg11[%swap3A_166, %swap3A_167], %swap3A_170 {strides = array<i32>} : memref<128x128xf32, #tpu.memory_space<vmem>>, vector<1x16xf32>,
      %broadcast_in_dim3A_171 = arith.constant 0.000000e+00 : f32
      %broadcast_in_dim3A_172 = vector.broadcast %broadcast_in_dim3A_171 : f32 to vector<16xf32>
      %swap3A_173 = arith.index_cast %scan3A_137 : i32 to index
      %swap3A_174 = arith.constant 80 : index
      %swap3A_175 = tpu.vector_load %arg11[%swap3A_173, %swap3A_174] {strides = array<i32>} : memref<128x128xf32, #tpu.memory_space<vmem>>, vector<1x16xf32>,
      %swap3A_176 = vector.shape_cast %swap3A_175 : vector<1x16xf32> to vector<16xf32>
      %swap3A_177 = vector.shape_cast %broadcast_in_dim3A_172 : vector<16xf32> to vector<1x16xf32>
      tpu.vector_store %arg11[%swap3A_173, %swap3A_174], %swap3A_177 {strides = array<i32>} : memref<128x128xf32, #tpu.memory_space<vmem>>, vector<1x16xf32>,
      %broadcast_in_dim3A_178 = arith.constant 0.000000e+00 : f32
      %broadcast_in_dim3A_179 = vector.broadcast %broadcast_in_dim3A_178 : f32 to vector<16xf32>
      %swap3A_180 = arith.index_cast %scan3A_137 : i32 to index
      %swap3A_181 = arith.constant 96 : index
      %swap3A_182 = tpu.vector_load %arg11[%swap3A_180, %swap3A_181] {strides = array<i32>} : memref<128x128xf32, #tpu.memory_space<vmem>>, vector<1x16xf32>,
      %swap3A_183 = vector.shape_cast %swap3A_182 : vector<1x16xf32> to vector<16xf32>
      %swap3A_184 = vector.shape_cast %broadcast_in_dim3A_179 : vector<16xf32> to vector<1x16xf32>
      tpu.vector_store %arg11[%swap3A_180, %swap3A_181], %swap3A_184 {strides = array<i32>} : memref<128x128xf32, #tpu.memory_space<vmem>>, vector<1x16xf32>,
      %broadcast_in_dim3A_185 = arith.constant 0.000000e+00 : f32
      %broadcast_in_dim3A_186 = vector.broadcast %broadcast_in_dim3A_185 : f32 to vector<16xf32>
      %swap3A_187 = arith.index_cast %scan3A_137 : i32 to index
      %swap3A_188 = arith.constant 112 : index
      %swap3A_189 = tpu.vector_load %arg11[%swap3A_187, %swap3A_188] {strides = array<i32>} : memref<128x128xf32, #tpu.memory_space<vmem>>, vector<1x16xf32>,
      %swap3A_190 = vector.shape_cast %swap3A_189 : vector<1x16xf32> to vector<16xf32>
      %swap3A_191 = vector.shape_cast %broadcast_in_dim3A_186 : vector<16xf32> to vector<1x16xf32>
      tpu.vector_store %arg11[%swap3A_187, %swap3A_188], %swap3A_191 {strides = array<i32>} : memref<128x128xf32, #tpu.memory_space<vmem>>, vector<1x16xf32>,
    }
    %scan3A_13 = arith.constant 128 : i32
    %mul3A_14 = arith.constant 632 : i32
    %mul3A_15 = arith.muli %arg1, %mul3A_14 : i32
    %scan3A_16 = arith.constant 0 : i32
    %scan3A_17 = arith.constant 0 : i32
    %scan3A_18 = arith.constant 4 : i32
    %scan3A_19 = arith.addi %scan3A_17, %scan3A_18 : i32
    %scan3A_20 = arith.constant 1 : i32
    scf.for %scan3A_137 = %scan3A_17 to %scan3A_19 step %scan3A_20  : i32 {
      %mul3A_138 = arith.constant 128 : i32
      %mul3A_139 = arith.muli %scan3A_137, %mul3A_138 : i32
      %add3A_140 = arith.addi %mul3A_15, %mul3A_139 : i32
      "tpu.region"() ({
        %run_scoped3A = tpu.sem_alloc : memref<!tpu.dma_semaphore, #tpu.memory_space<semaphore_mem>>
        %dma_start3A_141 = arith.constant 0 : i32
        %dma_start3A_142 = tpu.memref_slice %arg13[%add3A_140, %dma_start3A_141] : memref<10112x128xf32, #tpu.memory_space<vmem_shared>> -> memref<128x128xf32, #tpu.memory_space<vmem_shared>>
        %dma_start3A_143 = arith.constant 0 : i32
        %dma_start3A_144 = tpu.memref_slice %arg13[%add3A_140, %dma_start3A_143] : memref<10112x128xf32, #tpu.memory_space<vmem_shared>> -> memref<128x128xf32, #tpu.memory_space<vmem_shared>>
        tpu.enqueue_dma source(%arg11 : memref<128x128xf32, #tpu.memory_space<vmem>>) target(%dma_start3A_144 : memref<128x128xf32, #tpu.memory_space<vmem_shared>>) target_semaphore(%run_scoped3A : memref<!tpu.dma_semaphore, #tpu.memory_space<semaphore_mem>>)
        %dma_wait3A = arith.constant 0 : i32
        %dma_wait3A_145 = tpu.memref_slice %arg13[%add3A_140, %dma_wait3A] : memref<10112x128xf32, #tpu.memory_space<vmem_shared>> -> memref<128x128xf32, #tpu.memory_space<vmem_shared>>
        %dma_wait3A_146 = arith.constant 0 : i32
        %dma_wait3A_147 = tpu.memref_slice %arg13[%add3A_140, %dma_wait3A_146] : memref<10112x128xf32, #tpu.memory_space<vmem_shared>> -> memref<128x128xf32, #tpu.memory_space<vmem_shared>>
        tpu.wait_dma2 semaphore(%run_scoped3A : memref<!tpu.dma_semaphore, #tpu.memory_space<semaphore_mem>>) src(%arg11 : memref<128x128xf32, #tpu.memory_space<vmem>>) dst(%dma_wait3A_147 : memref<128x128xf32, #tpu.memory_space<vmem_shared>>)
        tpu.yield
      }) : () -> ()
    }
    %scan3A_21 = arith.constant 4 : i32
    %add3A_22 = arith.constant 512 : i32
    %add3A_23 = arith.addi %mul3A_15, %add3A_22 : i32
    "tpu.region"() ({
      %run_scoped3A = tpu.sem_alloc : memref<!tpu.dma_semaphore, #tpu.memory_space<semaphore_mem>>
      %dma_start3A_137 = arith.constant 0 : i32
      %dma_start3A_138 = arith.constant 0 : i32
      %dma_start3A_139 = tpu.memref_slice %arg11[%dma_start3A_137, %dma_start3A_138] : memref<128x128xf32, #tpu.memory_space<vmem>> -> memref<120x128xf32, #tpu.memory_space<vmem>>
      %dma_start3A_140 = arith.constant 0 : i32
      %dma_start3A_141 = tpu.memref_slice %arg13[%add3A_23, %dma_start3A_140] : memref<10112x128xf32, #tpu.memory_space<vmem_shared>> -> memref<120x128xf32, #tpu.memory_space<vmem_shared>>
      %dma_start3A_142 = arith.constant 0 : i32
      %dma_start3A_143 = tpu.memref_slice %arg13[%add3A_23, %dma_start3A_142] : memref<10112x128xf32, #tpu.memory_space<vmem_shared>> -> memref<120x128xf32, #tpu.memory_space<vmem_shared>>
      %dma_start3A_144 = arith.constant 0 : i32
      %dma_start3A_145 = arith.constant 0 : i32
      %dma_start3A_146 = tpu.memref_slice %arg11[%dma_start3A_144, %dma_start3A_145] : memref<128x128xf32, #tpu.memory_space<vmem>> -> memref<120x128xf32, #tpu.memory_space<vmem>>
      tpu.enqueue_dma source(%dma_start3A_146 : memref<120x128xf32, #tpu.memory_space<vmem>>) target(%dma_start3A_143 : memref<120x128xf32, #tpu.memory_space<vmem_shared>>) target_semaphore(%run_scoped3A : memref<!tpu.dma_semaphore, #tpu.memory_space<semaphore_mem>>)
      %dma_wait3A = arith.constant 0 : i32
      %dma_wait3A_147 = arith.constant 0 : i32
      %dma_wait3A_148 = tpu.memref_slice %arg11[%dma_wait3A, %dma_wait3A_147] : memref<128x128xf32, #tpu.memory_space<vmem>> -> memref<120x128xf32, #tpu.memory_space<vmem>>
      %dma_wait3A_149 = arith.constant 0 : i32
      %dma_wait3A_150 = tpu.memref_slice %arg13[%add3A_23, %dma_wait3A_149] : memref<10112x128xf32, #tpu.memory_space<vmem_shared>> -> memref<120x128xf32, #tpu.memory_space<vmem_shared>>
      %dma_wait3A_151 = arith.constant 0 : i32
      %dma_wait3A_152 = tpu.memref_slice %arg13[%add3A_23, %dma_wait3A_151] : memref<10112x128xf32, #tpu.memory_space<vmem_shared>> -> memref<120x128xf32, #tpu.memory_space<vmem_shared>>
      %dma_wait3A_153 = arith.constant 0 : i32
      %dma_wait3A_154 = arith.constant 0 : i32
      %dma_wait3A_155 = tpu.memref_slice %arg11[%dma_wait3A_153, %dma_wait3A_154] : memref<128x128xf32, #tpu.memory_space<vmem>> -> memref<120x128xf32, #tpu.memory_space<vmem>>
      tpu.wait_dma2 semaphore(%run_scoped3A : memref<!tpu.dma_semaphore, #tpu.memory_space<semaphore_mem>>) src(%dma_wait3A_155 : memref<120x128xf32, #tpu.memory_space<vmem>>) dst(%dma_wait3A_152 : memref<120x128xf32, #tpu.memory_space<vmem_shared>>)
      tpu.yield
    }) : () -> ()
    %barrier3A = arith.constant 0 : index
    tpu.barrier barrier_id(%barrier3A)
    %add3A_24 = arith.constant 0 : i32
    %add3A_25 = arith.addi %select_n3A, %add3A_24 : i32
    %mul3A_26 = arith.constant 128 : i32
    %mul3A_27 = arith.muli %add3A_25, %mul3A_26 : i32
    %multiple_of3A = tpu.assume_multiple %mul3A_27, 128 : i32
    "tpu.region"() ({
      %run_scoped3A = tpu.sem_alloc : memref<!tpu.dma_semaphore, #tpu.memory_space<semaphore_mem>>
      %dma_start3A_137 = tpu.memref_slice %arg2[%multiple_of3A] : memref<323584xi32, #tpu.memory_space<hbm>> -> memref<128xi32, #tpu.memory_space<hbm>>
      %dma_start3A_138 = tpu.memref_slice %arg2[%multiple_of3A] : memref<323584xi32, #tpu.memory_space<hbm>> -> memref<128xi32, #tpu.memory_space<hbm>>
      tpu.enqueue_dma source(%dma_start3A_138 : memref<128xi32, #tpu.memory_space<hbm>>) target(%arg7 : memref<128xi32, #tpu.memory_space<vmem>>) target_semaphore(%run_scoped3A : memref<!tpu.dma_semaphore, #tpu.memory_space<semaphore_mem>>)
      %dma_wait3A = tpu.memref_slice %arg2[%multiple_of3A] : memref<323584xi32, #tpu.memory_space<hbm>> -> memref<128xi32, #tpu.memory_space<hbm>>
      %dma_wait3A_139 = tpu.memref_slice %arg2[%multiple_of3A] : memref<323584xi32, #tpu.memory_space<hbm>> -> memref<128xi32, #tpu.memory_space<hbm>>
      tpu.wait_dma2 semaphore(%run_scoped3A : memref<!tpu.dma_semaphore, #tpu.memory_space<semaphore_mem>>) src(%dma_wait3A_139 : memref<128xi32, #tpu.memory_space<hbm>>) dst(%arg7 : memref<128xi32, #tpu.memory_space<vmem>>)
      tpu.yield
    }) : () -> ()
    "tpu.region"() ({
      %run_scoped3A = tpu.sem_alloc : memref<!tpu.dma_semaphore, #tpu.memory_space<semaphore_mem>>
      %dma_start3A_137 = tpu.memref_slice %arg3[%multiple_of3A] : memref<323584xi32, #tpu.memory_space<hbm>> -> memref<128xi32, #tpu.memory_space<hbm>>
      %dma_start3A_138 = tpu.memref_slice %arg3[%multiple_of3A] : memref<323584xi32, #tpu.memory_space<hbm>> -> memref<128xi32, #tpu.memory_space<hbm>>
      tpu.enqueue_dma source(%dma_start3A_138 : memref<128xi32, #tpu.memory_space<hbm>>) target(%arg8 : memref<128xi32, #tpu.memory_space<vmem>>) target_semaphore(%run_scoped3A : memref<!tpu.dma_semaphore, #tpu.memory_space<semaphore_mem>>)
      %dma_wait3A = tpu.memref_slice %arg3[%multiple_of3A] : memref<323584xi32, #tpu.memory_space<hbm>> -> memref<128xi32, #tpu.memory_space<hbm>>
      %dma_wait3A_139 = tpu.memref_slice %arg3[%multiple_of3A] : memref<323584xi32, #tpu.memory_space<hbm>> -> memref<128xi32, #tpu.memory_space<hbm>>
      tpu.wait_dma2 semaphore(%run_scoped3A : memref<!tpu.dma_semaphore, #tpu.memory_space<semaphore_mem>>) src(%dma_wait3A_139 : memref<128xi32, #tpu.memory_space<hbm>>) dst(%arg8 : memref<128xi32, #tpu.memory_space<vmem>>)
      tpu.yield
    }) : () -> ()
    %dma_start3A = arith.constant 0 : i32
    %dma_start3A_28 = arith.constant 0 : i32
    %dma_start3A_29 = tpu.memref_slice %arg4[%dma_start3A, %dma_start3A_28] : memref<10000x128xf32, #tpu.memory_space<hbm>> -> memref<10000x128xf32, #tpu.memory_space<hbm>>
    tpu.enqueue_indirect_dma source(%dma_start3A_29 : memref<10000x128xf32, #tpu.memory_space<hbm>>) target(%arg11 : memref<128x128xf32, #tpu.memory_space<vmem>>) offsets(%arg7 : memref<128xi32, #tpu.memory_space<vmem>>) semaphore(%arg14 : memref<!tpu.dma_semaphore, #tpu.memory_space<semaphore_mem>>)
    %add3A_30 = arith.constant 1 : i32
    %add3A_31 = arith.addi %select_n3A, %add3A_30 : i32
    %mul3A_32 = arith.constant 128 : i32
    %mul3A_33 = arith.muli %add3A_31, %mul3A_32 : i32
    %multiple_of3A_34 = tpu.assume_multiple %mul3A_33, 128 : i32
    "tpu.region"() ({
      %run_scoped3A = tpu.sem_alloc : memref<!tpu.dma_semaphore, #tpu.memory_space<semaphore_mem>>
      %dma_start3A_137 = tpu.memref_slice %arg2[%multiple_of3A_34] : memref<323584xi32, #tpu.memory_space<hbm>> -> memref<128xi32, #tpu.memory_space<hbm>>
      %dma_start3A_138 = tpu.memref_slice %arg2[%multiple_of3A_34] : memref<323584xi32, #tpu.memory_space<hbm>> -> memref<128xi32, #tpu.memory_space<hbm>>
      tpu.enqueue_dma source(%dma_start3A_138 : memref<128xi32, #tpu.memory_space<hbm>>) target(%arg9 : memref<128xi32, #tpu.memory_space<vmem>>) target_semaphore(%run_scoped3A : memref<!tpu.dma_semaphore, #tpu.memory_space<semaphore_mem>>)
      %dma_wait3A = tpu.memref_slice %arg2[%multiple_of3A_34] : memref<323584xi32, #tpu.memory_space<hbm>> -> memref<128xi32, #tpu.memory_space<hbm>>
      %dma_wait3A_139 = tpu.memref_slice %arg2[%multiple_of3A_34] : memref<323584xi32, #tpu.memory_space<hbm>> -> memref<128xi32, #tpu.memory_space<hbm>>
      tpu.wait_dma2 semaphore(%run_scoped3A : memref<!tpu.dma_semaphore, #tpu.memory_space<semaphore_mem>>) src(%dma_wait3A_139 : memref<128xi32, #tpu.memory_space<hbm>>) dst(%arg9 : memref<128xi32, #tpu.memory_space<vmem>>)
      tpu.yield
    }) : () -> ()
    "tpu.region"() ({
      %run_scoped3A = tpu.sem_alloc : memref<!tpu.dma_semaphore, #tpu.memory_space<semaphore_mem>>
      %dma_start3A_137 = tpu.memref_slice %arg3[%multiple_of3A_34] : memref<323584xi32, #tpu.memory_space<hbm>> -> memref<128xi32, #tpu.memory_space<hbm>>
      %dma_start3A_138 = tpu.memref_slice %arg3[%multiple_of3A_34] : memref<323584xi32, #tpu.memory_space<hbm>> -> memref<128xi32, #tpu.memory_space<hbm>>
      tpu.enqueue_dma source(%dma_start3A_138 : memref<128xi32, #tpu.memory_space<hbm>>) target(%arg10 : memref<128xi32, #tpu.memory_space<vmem>>) target_semaphore(%run_scoped3A : memref<!tpu.dma_semaphore, #tpu.memory_space<semaphore_mem>>)
      %dma_wait3A = tpu.memref_slice %arg3[%multiple_of3A_34] : memref<323584xi32, #tpu.memory_space<hbm>> -> memref<128xi32, #tpu.memory_space<hbm>>
      %dma_wait3A_139 = tpu.memref_slice %arg3[%multiple_of3A_34] : memref<323584xi32, #tpu.memory_space<hbm>> -> memref<128xi32, #tpu.memory_space<hbm>>
      tpu.wait_dma2 semaphore(%run_scoped3A : memref<!tpu.dma_semaphore, #tpu.memory_space<semaphore_mem>>) src(%dma_wait3A_139 : memref<128xi32, #tpu.memory_space<hbm>>) dst(%arg10 : memref<128xi32, #tpu.memory_space<vmem>>)
      tpu.yield
    }) : () -> ()
    %dma_start3A_35 = arith.constant 0 : i32
    %dma_start3A_36 = arith.constant 0 : i32
    %dma_start3A_37 = tpu.memref_slice %arg4[%dma_start3A_35, %dma_start3A_36] : memref<10000x128xf32, #tpu.memory_space<hbm>> -> memref<10000x128xf32, #tpu.memory_space<hbm>>
    tpu.enqueue_indirect_dma source(%dma_start3A_37 : memref<10000x128xf32, #tpu.memory_space<hbm>>) target(%arg12 : memref<128x128xf32, #tpu.memory_space<vmem>>) offsets(%arg9 : memref<128xi32, #tpu.memory_space<vmem>>) semaphore(%arg15 : memref<!tpu.dma_semaphore, #tpu.memory_space<semaphore_mem>>)
    %jit3A_38 = arith.constant 2 : i32
    %div3A = arith.divsi %select_n3A_8, %jit3A_38 : i32
    %sign3A = arith.constant 0 : i32
    %sign3A_39 = arith.cmpi sgt, %select_n3A_8, %sign3A : i32
    %sign3A_40 = arith.extui %sign3A_39 : i1 to i32
    %sign3A_41 = arith.constant 0 : i32
    %sign3A_42 = arith.cmpi slt, %select_n3A_8, %sign3A_41 : i32
    %sign3A_43 = arith.extui %sign3A_42 : i1 to i32
    %sign3A_44 = arith.subi %sign3A_40, %sign3A_43 : i32
    %sign3A_45 = arith.constant 0 : i32
    %sign3A_46 = arith.cmpi sgt, %jit3A_38, %sign3A_45 : i32
    %sign3A_47 = arith.extui %sign3A_46 : i1 to i32
    %sign3A_48 = arith.constant 0 : i32
    %sign3A_49 = arith.cmpi slt, %jit3A_38, %sign3A_48 : i32
    %sign3A_50 = arith.extui %sign3A_49 : i1 to i32
    %sign3A_51 = arith.subi %sign3A_47, %sign3A_50 : i32
    %ne3A = arith.cmpi ne, %sign3A_44, %sign3A_51 : i32
    %rem3A = arith.remsi %select_n3A_8, %jit3A_38 : i32
    %ne3A_52 = arith.constant 0 : i32
    %ne3A_53 = arith.cmpi ne, %rem3A, %ne3A_52 : i32
    %and3A = arith.andi %ne3A, %ne3A_53 : i1
    %sub3A = arith.constant 1 : i32
    %sub3A_54 = arith.subi %div3A, %sub3A : i32
    %select_n3A_55 = arith.select %and3A, %sub3A_54, %div3A : i32
    %while3A = arith.constant 0 : i32
    %while3A_56 = arith.constant 0 : i32
    %while3A_57 = arith.subi %select_n3A_55, %while3A_56 : i32
    %while3A_58 = arith.addi %while3A_56, %while3A_57 : i32
    %while3A_59 = arith.constant 1 : i32
    %while3A_60 = arith.divsi %while3A_57, %while3A_59 : i32
    %while3A_61 = arith.muli %while3A_60, %while3A_59 : i32
    %while3A_62 = arith.addi %while3A_56, %while3A_61 : i32
    %while3A_63 = arith.constant 1 : i32
    scf.for %while3A_137 = %while3A_56 to %while3A_62 step %while3A_63  : i32 {
      %mul3A_138 = arith.constant 2 : i32
      %mul3A_139 = arith.muli %mul3A_138, %while3A_137 : i32
      %add3A_140 = arith.constant 0 : i32
      %add3A_141 = arith.addi %mul3A_139, %add3A_140 : i32
      %dma_wait3A = arith.constant 0 : i32
      %dma_wait3A_142 = arith.constant 0 : i32
      %dma_wait3A_143 = tpu.memref_slice %arg4[%dma_wait3A, %dma_wait3A_142] : memref<10000x128xf32, #tpu.memory_space<hbm>> -> memref<10000x128xf32, #tpu.memory_space<hbm>>
      tpu.wait_indirect_dma semaphore(%arg14 : memref<!tpu.dma_semaphore, #tpu.memory_space<semaphore_mem>>) src(%dma_wait3A_143 : memref<10000x128xf32, #tpu.memory_space<hbm>>) dst(%arg11 : memref<128x128xf32, #tpu.memory_space<vmem>>)
      "tpu.region"() ({
        %run_scoped3A = tpu.sem_alloc : memref<!tpu.dma_semaphore, #tpu.memory_space<semaphore_mem>>
        %dma_start3A_160 = arith.constant 0 : i32
        %dma_start3A_161 = arith.constant 0 : i32
        %dma_start3A_162 = tpu.memref_slice %arg13[%dma_start3A_160, %dma_start3A_161] : memref<10112x128xf32, #tpu.memory_space<vmem_shared>> -> memref<10112x128xf32, #tpu.memory_space<vmem_shared>>
        tpu.enqueue_indirect_dma source(%arg11 : memref<128x128xf32, #tpu.memory_space<vmem>>) target(%dma_start3A_162 : memref<10112x128xf32, #tpu.memory_space<vmem_shared>>) offsets(%arg8 : memref<128xi32, #tpu.memory_space<vmem>>) semaphore(%run_scoped3A : memref<!tpu.dma_semaphore, #tpu.memory_space<semaphore_mem>>) {add = true}
        %dma_wait3A_163 = arith.constant 0 : i32
        %dma_wait3A_164 = arith.constant 0 : i32
        %dma_wait3A_165 = tpu.memref_slice %arg13[%dma_wait3A_163, %dma_wait3A_164] : memref<10112x128xf32, #tpu.memory_space<vmem_shared>> -> memref<10112x128xf32, #tpu.memory_space<vmem_shared>>
        tpu.wait_indirect_dma semaphore(%run_scoped3A : memref<!tpu.dma_semaphore, #tpu.memory_space<semaphore_mem>>) src(%arg11 : memref<128x128xf32, #tpu.memory_space<vmem>>) dst(%dma_wait3A_165 : memref<10112x128xf32, #tpu.memory_space<vmem_shared>>)
        tpu.yield
      }) : () -> ()
      %add3A_144 = arith.constant 2 : i32
      %add3A_145 = arith.addi %add3A_141, %add3A_144 : i32
      %lt3A = arith.cmpi slt, %add3A_145, %select_n3A_8 : i32
      %convert_element_type3A = arith.extui %lt3A : i1 to i32
      %cond3A = arith.constant 0 : i32
      %cond3A_146 = arith.cmpi ne, %convert_element_type3A, %cond3A : i32
      scf.if %cond3A_146 {
        %add3A_160 = arith.constant 2 : i32
        %add3A_161 = arith.addi %add3A_141, %add3A_160 : i32
        %add3A_162 = arith.addi %select_n3A, %add3A_161 : i32
        %mul3A_163 = arith.constant 128 : i32
        %mul3A_164 = arith.muli %add3A_162, %mul3A_163 : i32
        %multiple_of3A_165 = tpu.assume_multiple %mul3A_164, 128 : i32
        "tpu.region"() ({
          %run_scoped3A = tpu.sem_alloc : memref<!tpu.dma_semaphore, #tpu.memory_space<semaphore_mem>>
          %dma_start3A_169 = tpu.memref_slice %arg2[%multiple_of3A_165] : memref<323584xi32, #tpu.memory_space<hbm>> -> memref<128xi32, #tpu.memory_space<hbm>>
          %dma_start3A_170 = tpu.memref_slice %arg2[%multiple_of3A_165] : memref<323584xi32, #tpu.memory_space<hbm>> -> memref<128xi32, #tpu.memory_space<hbm>>
          tpu.enqueue_dma source(%dma_start3A_170 : memref<128xi32, #tpu.memory_space<hbm>>) target(%arg7 : memref<128xi32, #tpu.memory_space<vmem>>) target_semaphore(%run_scoped3A : memref<!tpu.dma_semaphore, #tpu.memory_space<semaphore_mem>>)
          %dma_wait3A_171 = tpu.memref_slice %arg2[%multiple_of3A_165] : memref<323584xi32, #tpu.memory_space<hbm>> -> memref<128xi32, #tpu.memory_space<hbm>>
          %dma_wait3A_172 = tpu.memref_slice %arg2[%multiple_of3A_165] : memref<323584xi32, #tpu.memory_space<hbm>> -> memref<128xi32, #tpu.memory_space<hbm>>
          tpu.wait_dma2 semaphore(%run_scoped3A : memref<!tpu.dma_semaphore, #tpu.memory_space<semaphore_mem>>) src(%dma_wait3A_172 : memref<128xi32, #tpu.memory_space<hbm>>) dst(%arg7 : memref<128xi32, #tpu.memory_space<vmem>>)
          tpu.yield
        }) : () -> ()
        "tpu.region"() ({
          %run_scoped3A = tpu.sem_alloc : memref<!tpu.dma_semaphore, #tpu.memory_space<semaphore_mem>>
          %dma_start3A_169 = tpu.memref_slice %arg3[%multiple_of3A_165] : memref<323584xi32, #tpu.memory_space<hbm>> -> memref<128xi32, #tpu.memory_space<hbm>>
          %dma_start3A_170 = tpu.memref_slice %arg3[%multiple_of3A_165] : memref<323584xi32, #tpu.memory_space<hbm>> -> memref<128xi32, #tpu.memory_space<hbm>>
          tpu.enqueue_dma source(%dma_start3A_170 : memref<128xi32, #tpu.memory_space<hbm>>) target(%arg8 : memref<128xi32, #tpu.memory_space<vmem>>) target_semaphore(%run_scoped3A : memref<!tpu.dma_semaphore, #tpu.memory_space<semaphore_mem>>)
          %dma_wait3A_171 = tpu.memref_slice %arg3[%multiple_of3A_165] : memref<323584xi32, #tpu.memory_space<hbm>> -> memref<128xi32, #tpu.memory_space<hbm>>
          %dma_wait3A_172 = tpu.memref_slice %arg3[%multiple_of3A_165] : memref<323584xi32, #tpu.memory_space<hbm>> -> memref<128xi32, #tpu.memory_space<hbm>>
          tpu.wait_dma2 semaphore(%run_scoped3A : memref<!tpu.dma_semaphore, #tpu.memory_space<semaphore_mem>>) src(%dma_wait3A_172 : memref<128xi32, #tpu.memory_space<hbm>>) dst(%arg8 : memref<128xi32, #tpu.memory_space<vmem>>)
          tpu.yield
        }) : () -> ()
        %dma_start3A_166 = arith.constant 0 : i32
        %dma_start3A_167 = arith.constant 0 : i32
        %dma_start3A_168 = tpu.memref_slice %arg4[%dma_start3A_166, %dma_start3A_167] : memref<10000x128xf32, #tpu.memory_space<hbm>> -> memref<10000x128xf32, #tpu.memory_space<hbm>>
        tpu.enqueue_indirect_dma source(%dma_start3A_168 : memref<10000x128xf32, #tpu.memory_space<hbm>>) target(%arg11 : memref<128x128xf32, #tpu.memory_space<vmem>>) offsets(%arg7 : memref<128xi32, #tpu.memory_space<vmem>>) semaphore(%arg14 : memref<!tpu.dma_semaphore, #tpu.memory_space<semaphore_mem>>)
      } else {
      }
      %mul3A_147 = arith.constant 2 : i32
      %mul3A_148 = arith.muli %mul3A_147, %while3A_137 : i32
      %add3A_149 = arith.constant 1 : i32
      %add3A_150 = arith.addi %mul3A_148, %add3A_149 : i32
      %dma_wait3A_151 = arith.constant 0 : i32
      %dma_wait3A_152 = arith.constant 0 : i32
      %dma_wait3A_153 = tpu.memref_slice %arg4[%dma_wait3A_151, %dma_wait3A_152] : memref<10000x128xf32, #tpu.memory_space<hbm>> -> memref<10000x128xf32, #tpu.memory_space<hbm>>
      tpu.wait_indirect_dma semaphore(%arg15 : memref<!tpu.dma_semaphore, #tpu.memory_space<semaphore_mem>>) src(%dma_wait3A_153 : memref<10000x128xf32, #tpu.memory_space<hbm>>) dst(%arg12 : memref<128x128xf32, #tpu.memory_space<vmem>>)
      "tpu.region"() ({
        %run_scoped3A = tpu.sem_alloc : memref<!tpu.dma_semaphore, #tpu.memory_space<semaphore_mem>>
        %dma_start3A_160 = arith.constant 0 : i32
        %dma_start3A_161 = arith.constant 0 : i32
        %dma_start3A_162 = tpu.memref_slice %arg13[%dma_start3A_160, %dma_start3A_161] : memref<10112x128xf32, #tpu.memory_space<vmem_shared>> -> memref<10112x128xf32, #tpu.memory_space<vmem_shared>>
        tpu.enqueue_indirect_dma source(%arg12 : memref<128x128xf32, #tpu.memory_space<vmem>>) target(%dma_start3A_162 : memref<10112x128xf32, #tpu.memory_space<vmem_shared>>) offsets(%arg10 : memref<128xi32, #tpu.memory_space<vmem>>) semaphore(%run_scoped3A : memref<!tpu.dma_semaphore, #tpu.memory_space<semaphore_mem>>) {add = true}
        %dma_wait3A_163 = arith.constant 0 : i32
        %dma_wait3A_164 = arith.constant 0 : i32
        %dma_wait3A_165 = tpu.memref_slice %arg13[%dma_wait3A_163, %dma_wait3A_164] : memref<10112x128xf32, #tpu.memory_space<vmem_shared>> -> memref<10112x128xf32, #tpu.memory_space<vmem_shared>>
        tpu.wait_indirect_dma semaphore(%run_scoped3A : memref<!tpu.dma_semaphore, #tpu.memory_space<semaphore_mem>>) src(%arg12 : memref<128x128xf32, #tpu.memory_space<vmem>>) dst(%dma_wait3A_165 : memref<10112x128xf32, #tpu.memory_space<vmem_shared>>)
        tpu.yield
      }) : () -> ()
      %add3A_154 = arith.constant 2 : i32
      %add3A_155 = arith.addi %add3A_150, %add3A_154 : i32
      %lt3A_156 = arith.cmpi slt, %add3A_155, %select_n3A_8 : i32
      %convert_element_type3A_157 = arith.extui %lt3A_156 : i1 to i32
      %cond3A_158 = arith.constant 0 : i32
      %cond3A_159 = arith.cmpi ne, %convert_element_type3A_157, %cond3A_158 : i32
      scf.if %cond3A_159 {
        %add3A_160 = arith.constant 2 : i32
        %add3A_161 = arith.addi %add3A_150, %add3A_160 : i32
        %add3A_162 = arith.addi %select_n3A, %add3A_161 : i32
        %mul3A_163 = arith.constant 128 : i32
        %mul3A_164 = arith.muli %add3A_162, %mul3A_163 : i32
        %multiple_of3A_165 = tpu.assume_multiple %mul3A_164, 128 : i32
        "tpu.region"() ({
          %run_scoped3A = tpu.sem_alloc : memref<!tpu.dma_semaphore, #tpu.memory_space<semaphore_mem>>
          %dma_start3A_169 = tpu.memref_slice %arg2[%multiple_of3A_165] : memref<323584xi32, #tpu.memory_space<hbm>> -> memref<128xi32, #tpu.memory_space<hbm>>
          %dma_start3A_170 = tpu.memref_slice %arg2[%multiple_of3A_165] : memref<323584xi32, #tpu.memory_space<hbm>> -> memref<128xi32, #tpu.memory_space<hbm>>
          tpu.enqueue_dma source(%dma_start3A_170 : memref<128xi32, #tpu.memory_space<hbm>>) target(%arg9 : memref<128xi32, #tpu.memory_space<vmem>>) target_semaphore(%run_scoped3A : memref<!tpu.dma_semaphore, #tpu.memory_space<semaphore_mem>>)
          %dma_wait3A_171 = tpu.memref_slice %arg2[%multiple_of3A_165] : memref<323584xi32, #tpu.memory_space<hbm>> -> memref<128xi32, #tpu.memory_space<hbm>>
          %dma_wait3A_172 = tpu.memref_slice %arg2[%multiple_of3A_165] : memref<323584xi32, #tpu.memory_space<hbm>> -> memref<128xi32, #tpu.memory_space<hbm>>
          tpu.wait_dma2 semaphore(%run_scoped3A : memref<!tpu.dma_semaphore, #tpu.memory_space<semaphore_mem>>) src(%dma_wait3A_172 : memref<128xi32, #tpu.memory_space<hbm>>) dst(%arg9 : memref<128xi32, #tpu.memory_space<vmem>>)
          tpu.yield
        }) : () -> ()
        "tpu.region"() ({
          %run_scoped3A = tpu.sem_alloc : memref<!tpu.dma_semaphore, #tpu.memory_space<semaphore_mem>>
          %dma_start3A_169 = tpu.memref_slice %arg3[%multiple_of3A_165] : memref<323584xi32, #tpu.memory_space<hbm>> -> memref<128xi32, #tpu.memory_space<hbm>>
          %dma_start3A_170 = tpu.memref_slice %arg3[%multiple_of3A_165] : memref<323584xi32, #tpu.memory_space<hbm>> -> memref<128xi32, #tpu.memory_space<hbm>>
          tpu.enqueue_dma source(%dma_start3A_170 : memref<128xi32, #tpu.memory_space<hbm>>) target(%arg10 : memref<128xi32, #tpu.memory_space<vmem>>) target_semaphore(%run_scoped3A : memref<!tpu.dma_semaphore, #tpu.memory_space<semaphore_mem>>)
          %dma_wait3A_171 = tpu.memref_slice %arg3[%multiple_of3A_165] : memref<323584xi32, #tpu.memory_space<hbm>> -> memref<128xi32, #tpu.memory_space<hbm>>
          %dma_wait3A_172 = tpu.memref_slice %arg3[%multiple_of3A_165] : memref<323584xi32, #tpu.memory_space<hbm>> -> memref<128xi32, #tpu.memory_space<hbm>>
          tpu.wait_dma2 semaphore(%run_scoped3A : memref<!tpu.dma_semaphore, #tpu.memory_space<semaphore_mem>>) src(%dma_wait3A_172 : memref<128xi32, #tpu.memory_space<hbm>>) dst(%arg10 : memref<128xi32, #tpu.memory_space<vmem>>)
          tpu.yield
        }) : () -> ()
        %dma_start3A_166 = arith.constant 0 : i32
        %dma_start3A_167 = arith.constant 0 : i32
        %dma_start3A_168 = tpu.memref_slice %arg4[%dma_start3A_166, %dma_start3A_167] : memref<10000x128xf32, #tpu.memory_space<hbm>> -> memref<10000x128xf32, #tpu.memory_space<hbm>>
        tpu.enqueue_indirect_dma source(%dma_start3A_168 : memref<10000x128xf32, #tpu.memory_space<hbm>>) target(%arg12 : memref<128x128xf32, #tpu.memory_space<vmem>>) offsets(%arg9 : memref<128xi32, #tpu.memory_space<vmem>>) semaphore(%arg15 : memref<!tpu.dma_semaphore, #tpu.memory_space<semaphore_mem>>)
      } else {
      }
    }
    %while3A_64 = arith.constant 1 : i32
    scf.for %while3A_137 = %while3A_62 to %while3A_58 step %while3A_64  : i32 {
      %mul3A_138 = arith.constant 2 : i32
      %mul3A_139 = arith.muli %mul3A_138, %while3A_137 : i32
      %add3A_140 = arith.constant 0 : i32
      %add3A_141 = arith.addi %mul3A_139, %add3A_140 : i32
      %dma_wait3A = arith.constant 0 : i32
      %dma_wait3A_142 = arith.constant 0 : i32
      %dma_wait3A_143 = tpu.memref_slice %arg4[%dma_wait3A, %dma_wait3A_142] : memref<10000x128xf32, #tpu.memory_space<hbm>> -> memref<10000x128xf32, #tpu.memory_space<hbm>>
      tpu.wait_indirect_dma semaphore(%arg14 : memref<!tpu.dma_semaphore, #tpu.memory_space<semaphore_mem>>) src(%dma_wait3A_143 : memref<10000x128xf32, #tpu.memory_space<hbm>>) dst(%arg11 : memref<128x128xf32, #tpu.memory_space<vmem>>)
      "tpu.region"() ({
        %run_scoped3A = tpu.sem_alloc : memref<!tpu.dma_semaphore, #tpu.memory_space<semaphore_mem>>
        %dma_start3A_160 = arith.constant 0 : i32
        %dma_start3A_161 = arith.constant 0 : i32
        %dma_start3A_162 = tpu.memref_slice %arg13[%dma_start3A_160, %dma_start3A_161] : memref<10112x128xf32, #tpu.memory_space<vmem_shared>> -> memref<10112x128xf32, #tpu.memory_space<vmem_shared>>
        tpu.enqueue_indirect_dma source(%arg11 : memref<128x128xf32, #tpu.memory_space<vmem>>) target(%dma_start3A_162 : memref<10112x128xf32, #tpu.memory_space<vmem_shared>>) offsets(%arg8 : memref<128xi32, #tpu.memory_space<vmem>>) semaphore(%run_scoped3A : memref<!tpu.dma_semaphore, #tpu.memory_space<semaphore_mem>>) {add = true}
        %dma_wait3A_163 = arith.constant 0 : i32
        %dma_wait3A_164 = arith.constant 0 : i32
        %dma_wait3A_165 = tpu.memref_slice %arg13[%dma_wait3A_163, %dma_wait3A_164] : memref<10112x128xf32, #tpu.memory_space<vmem_shared>> -> memref<10112x128xf32, #tpu.memory_space<vmem_shared>>
        tpu.wait_indirect_dma semaphore(%run_scoped3A : memref<!tpu.dma_semaphore, #tpu.memory_space<semaphore_mem>>) src(%arg11 : memref<128x128xf32, #tpu.memory_space<vmem>>) dst(%dma_wait3A_165 : memref<10112x128xf32, #tpu.memory_space<vmem_shared>>)
        tpu.yield
      }) : () -> ()
      %add3A_144 = arith.constant 2 : i32
      %add3A_145 = arith.addi %add3A_141, %add3A_144 : i32
      %lt3A = arith.cmpi slt, %add3A_145, %select_n3A_8 : i32
      %convert_element_type3A = arith.extui %lt3A : i1 to i32
      %cond3A = arith.constant 0 : i32
      %cond3A_146 = arith.cmpi ne, %convert_element_type3A, %cond3A : i32
      scf.if %cond3A_146 {
        %add3A_160 = arith.constant 2 : i32
        %add3A_161 = arith.addi %add3A_141, %add3A_160 : i32
        %add3A_162 = arith.addi %select_n3A, %add3A_161 : i32
        %mul3A_163 = arith.constant 128 : i32
        %mul3A_164 = arith.muli %add3A_162, %mul3A_163 : i32
        %multiple_of3A_165 = tpu.assume_multiple %mul3A_164, 128 : i32
        "tpu.region"() ({
          %run_scoped3A = tpu.sem_alloc : memref<!tpu.dma_semaphore, #tpu.memory_space<semaphore_mem>>
          %dma_start3A_169 = tpu.memref_slice %arg2[%multiple_of3A_165] : memref<323584xi32, #tpu.memory_space<hbm>> -> memref<128xi32, #tpu.memory_space<hbm>>
          %dma_start3A_170 = tpu.memref_slice %arg2[%multiple_of3A_165] : memref<323584xi32, #tpu.memory_space<hbm>> -> memref<128xi32, #tpu.memory_space<hbm>>
          tpu.enqueue_dma source(%dma_start3A_170 : memref<128xi32, #tpu.memory_space<hbm>>) target(%arg7 : memref<128xi32, #tpu.memory_space<vmem>>) target_semaphore(%run_scoped3A : memref<!tpu.dma_semaphore, #tpu.memory_space<semaphore_mem>>)
          %dma_wait3A_171 = tpu.memref_slice %arg2[%multiple_of3A_165] : memref<323584xi32, #tpu.memory_space<hbm>> -> memref<128xi32, #tpu.memory_space<hbm>>
          %dma_wait3A_172 = tpu.memref_slice %arg2[%multiple_of3A_165] : memref<323584xi32, #tpu.memory_space<hbm>> -> memref<128xi32, #tpu.memory_space<hbm>>
          tpu.wait_dma2 semaphore(%run_scoped3A : memref<!tpu.dma_semaphore, #tpu.memory_space<semaphore_mem>>) src(%dma_wait3A_172 : memref<128xi32, #tpu.memory_space<hbm>>) dst(%arg7 : memref<128xi32, #tpu.memory_space<vmem>>)
          tpu.yield
        }) : () -> ()
        "tpu.region"() ({
          %run_scoped3A = tpu.sem_alloc : memref<!tpu.dma_semaphore, #tpu.memory_space<semaphore_mem>>
          %dma_start3A_169 = tpu.memref_slice %arg3[%multiple_of3A_165] : memref<323584xi32, #tpu.memory_space<hbm>> -> memref<128xi32, #tpu.memory_space<hbm>>
          %dma_start3A_170 = tpu.memref_slice %arg3[%multiple_of3A_165] : memref<323584xi32, #tpu.memory_space<hbm>> -> memref<128xi32, #tpu.memory_space<hbm>>
          tpu.enqueue_dma source(%dma_start3A_170 : memref<128xi32, #tpu.memory_space<hbm>>) target(%arg8 : memref<128xi32, #tpu.memory_space<vmem>>) target_semaphore(%run_scoped3A : memref<!tpu.dma_semaphore, #tpu.memory_space<semaphore_mem>>)
          %dma_wait3A_171 = tpu.memref_slice %arg3[%multiple_of3A_165] : memref<323584xi32, #tpu.memory_space<hbm>> -> memref<128xi32, #tpu.memory_space<hbm>>
          %dma_wait3A_172 = tpu.memref_slice %arg3[%multiple_of3A_165] : memref<323584xi32, #tpu.memory_space<hbm>> -> memref<128xi32, #tpu.memory_space<hbm>>
          tpu.wait_dma2 semaphore(%run_scoped3A : memref<!tpu.dma_semaphore, #tpu.memory_space<semaphore_mem>>) src(%dma_wait3A_172 : memref<128xi32, #tpu.memory_space<hbm>>) dst(%arg8 : memref<128xi32, #tpu.memory_space<vmem>>)
          tpu.yield
        }) : () -> ()
        %dma_start3A_166 = arith.constant 0 : i32
        %dma_start3A_167 = arith.constant 0 : i32
        %dma_start3A_168 = tpu.memref_slice %arg4[%dma_start3A_166, %dma_start3A_167] : memref<10000x128xf32, #tpu.memory_space<hbm>> -> memref<10000x128xf32, #tpu.memory_space<hbm>>
        tpu.enqueue_indirect_dma source(%dma_start3A_168 : memref<10000x128xf32, #tpu.memory_space<hbm>>) target(%arg11 : memref<128x128xf32, #tpu.memory_space<vmem>>) offsets(%arg7 : memref<128xi32, #tpu.memory_space<vmem>>) semaphore(%arg14 : memref<!tpu.dma_semaphore, #tpu.memory_space<semaphore_mem>>)
      } else {
      }
      %mul3A_147 = arith.constant 2 : i32
      %mul3A_148 = arith.muli %mul3A_147, %while3A_137 : i32
      %add3A_149 = arith.constant 1 : i32
      %add3A_150 = arith.addi %mul3A_148, %add3A_149 : i32
      %dma_wait3A_151 = arith.constant 0 : i32
      %dma_wait3A_152 = arith.constant 0 : i32
      %dma_wait3A_153 = tpu.memref_slice %arg4[%dma_wait3A_151, %dma_wait3A_152] : memref<10000x128xf32, #tpu.memory_space<hbm>> -> memref<10000x128xf32, #tpu.memory_space<hbm>>
      tpu.wait_indirect_dma semaphore(%arg15 : memref<!tpu.dma_semaphore, #tpu.memory_space<semaphore_mem>>) src(%dma_wait3A_153 : memref<10000x128xf32, #tpu.memory_space<hbm>>) dst(%arg12 : memref<128x128xf32, #tpu.memory_space<vmem>>)
      "tpu.region"() ({
        %run_scoped3A = tpu.sem_alloc : memref<!tpu.dma_semaphore, #tpu.memory_space<semaphore_mem>>
        %dma_start3A_160 = arith.constant 0 : i32
        %dma_start3A_161 = arith.constant 0 : i32
        %dma_start3A_162 = tpu.memref_slice %arg13[%dma_start3A_160, %dma_start3A_161] : memref<10112x128xf32, #tpu.memory_space<vmem_shared>> -> memref<10112x128xf32, #tpu.memory_space<vmem_shared>>
        tpu.enqueue_indirect_dma source(%arg12 : memref<128x128xf32, #tpu.memory_space<vmem>>) target(%dma_start3A_162 : memref<10112x128xf32, #tpu.memory_space<vmem_shared>>) offsets(%arg10 : memref<128xi32, #tpu.memory_space<vmem>>) semaphore(%run_scoped3A : memref<!tpu.dma_semaphore, #tpu.memory_space<semaphore_mem>>) {add = true}
        %dma_wait3A_163 = arith.constant 0 : i32
        %dma_wait3A_164 = arith.constant 0 : i32
        %dma_wait3A_165 = tpu.memref_slice %arg13[%dma_wait3A_163, %dma_wait3A_164] : memref<10112x128xf32, #tpu.memory_space<vmem_shared>> -> memref<10112x128xf32, #tpu.memory_space<vmem_shared>>
        tpu.wait_indirect_dma semaphore(%run_scoped3A : memref<!tpu.dma_semaphore, #tpu.memory_space<semaphore_mem>>) src(%arg12 : memref<128x128xf32, #tpu.memory_space<vmem>>) dst(%dma_wait3A_165 : memref<10112x128xf32, #tpu.memory_space<vmem_shared>>)
        tpu.yield
      }) : () -> ()
      %add3A_154 = arith.constant 2 : i32
      %add3A_155 = arith.addi %add3A_150, %add3A_154 : i32
      %lt3A_156 = arith.cmpi slt, %add3A_155, %select_n3A_8 : i32
      %convert_element_type3A_157 = arith.extui %lt3A_156 : i1 to i32
      %cond3A_158 = arith.constant 0 : i32
      %cond3A_159 = arith.cmpi ne, %convert_element_type3A_157, %cond3A_158 : i32
      scf.if %cond3A_159 {
        %add3A_160 = arith.constant 2 : i32
        %add3A_161 = arith.addi %add3A_150, %add3A_160 : i32
        %add3A_162 = arith.addi %select_n3A, %add3A_161 : i32
        %mul3A_163 = arith.constant 128 : i32
        %mul3A_164 = arith.muli %add3A_162, %mul3A_163 : i32
        %multiple_of3A_165 = tpu.assume_multiple %mul3A_164, 128 : i32
        "tpu.region"() ({
          %run_scoped3A = tpu.sem_alloc : memref<!tpu.dma_semaphore, #tpu.memory_space<semaphore_mem>>
          %dma_start3A_169 = tpu.memref_slice %arg2[%multiple_of3A_165] : memref<323584xi32, #tpu.memory_space<hbm>> -> memref<128xi32, #tpu.memory_space<hbm>>
          %dma_start3A_170 = tpu.memref_slice %arg2[%multiple_of3A_165] : memref<323584xi32, #tpu.memory_space<hbm>> -> memref<128xi32, #tpu.memory_space<hbm>>
          tpu.enqueue_dma source(%dma_start3A_170 : memref<128xi32, #tpu.memory_space<hbm>>) target(%arg9 : memref<128xi32, #tpu.memory_space<vmem>>) target_semaphore(%run_scoped3A : memref<!tpu.dma_semaphore, #tpu.memory_space<semaphore_mem>>)
          %dma_wait3A_171 = tpu.memref_slice %arg2[%multiple_of3A_165] : memref<323584xi32, #tpu.memory_space<hbm>> -> memref<128xi32, #tpu.memory_space<hbm>>
          %dma_wait3A_172 = tpu.memref_slice %arg2[%multiple_of3A_165] : memref<323584xi32, #tpu.memory_space<hbm>> -> memref<128xi32, #tpu.memory_space<hbm>>
          tpu.wait_dma2 semaphore(%run_scoped3A : memref<!tpu.dma_semaphore, #tpu.memory_space<semaphore_mem>>) src(%dma_wait3A_172 : memref<128xi32, #tpu.memory_space<hbm>>) dst(%arg9 : memref<128xi32, #tpu.memory_space<vmem>>)
          tpu.yield
        }) : () -> ()
        "tpu.region"() ({
          %run_scoped3A = tpu.sem_alloc : memref<!tpu.dma_semaphore, #tpu.memory_space<semaphore_mem>>
          %dma_start3A_169 = tpu.memref_slice %arg3[%multiple_of3A_165] : memref<323584xi32, #tpu.memory_space<hbm>> -> memref<128xi32, #tpu.memory_space<hbm>>
          %dma_start3A_170 = tpu.memref_slice %arg3[%multiple_of3A_165] : memref<323584xi32, #tpu.memory_space<hbm>> -> memref<128xi32, #tpu.memory_space<hbm>>
          tpu.enqueue_dma source(%dma_start3A_170 : memref<128xi32, #tpu.memory_space<hbm>>) target(%arg10 : memref<128xi32, #tpu.memory_space<vmem>>) target_semaphore(%run_scoped3A : memref<!tpu.dma_semaphore, #tpu.memory_space<semaphore_mem>>)
          %dma_wait3A_171 = tpu.memref_slice %arg3[%multiple_of3A_165] : memref<323584xi32, #tpu.memory_space<hbm>> -> memref<128xi32, #tpu.memory_space<hbm>>
          %dma_wait3A_172 = tpu.memref_slice %arg3[%multiple_of3A_165] : memref<323584xi32, #tpu.memory_space<hbm>> -> memref<128xi32, #tpu.memory_space<hbm>>
          tpu.wait_dma2 semaphore(%run_scoped3A : memref<!tpu.dma_semaphore, #tpu.memory_space<semaphore_mem>>) src(%dma_wait3A_172 : memref<128xi32, #tpu.memory_space<hbm>>) dst(%arg10 : memref<128xi32, #tpu.memory_space<vmem>>)
          tpu.yield
        }) : () -> ()
        %dma_start3A_166 = arith.constant 0 : i32
        %dma_start3A_167 = arith.constant 0 : i32
        %dma_start3A_168 = tpu.memref_slice %arg4[%dma_start3A_166, %dma_start3A_167] : memref<10000x128xf32, #tpu.memory_space<hbm>> -> memref<10000x128xf32, #tpu.memory_space<hbm>>
        tpu.enqueue_indirect_dma source(%dma_start3A_168 : memref<10000x128xf32, #tpu.memory_space<hbm>>) target(%arg12 : memref<128x128xf32, #tpu.memory_space<vmem>>) offsets(%arg9 : memref<128xi32, #tpu.memory_space<vmem>>) semaphore(%arg15 : memref<!tpu.dma_semaphore, #tpu.memory_space<semaphore_mem>>)
      } else {
      }
    }
    %barrier3A_65 = arith.constant 0 : index
    tpu.barrier barrier_id(%barrier3A_65)
    "tpu.region"() ({
      %run_scoped3A = tpu.sem_alloc : memref<!tpu.dma_semaphore, #tpu.memory_space<semaphore_mem>>
      %dma_start3A_137 = arith.constant 0 : i32
      %dma_start3A_138 = tpu.memref_slice %arg5[%arg0, %mul3A_15, %dma_start3A_137] : memref<2x10112x128xf32, #tpu.memory_space<hbm>> -> memref<1x632x128xf32, #tpu.memory_space<hbm>>
      %dma_start3A_139 = tpu.memref_squeeze %dma_start3A_138 : memref<1x632x128xf32, #tpu.memory_space<hbm>> -> memref<632x128xf32, #tpu.memory_space<hbm>>
      %dma_start3A_140 = arith.constant 0 : i32
      %dma_start3A_141 = tpu.memref_slice %arg13[%mul3A_15, %dma_start3A_140] : memref<10112x128xf32, #tpu.memory_space<vmem_shared>> -> memref<632x128xf32, #tpu.memory_space<vmem_shared>>
      tpu.enqueue_dma source(%dma_start3A_141 : memref<632x128xf32, #tpu.memory_space<vmem_shared>>) target(%dma_start3A_139 : memref<632x128xf32, #tpu.memory_space<hbm>>) target_semaphore(%run_scoped3A : memref<!tpu.dma_semaphore, #tpu.memory_space<semaphore_mem>>)
      %dma_wait3A = arith.constant 0 : i32
      %dma_wait3A_142 = tpu.memref_slice %arg5[%arg0, %mul3A_15, %dma_wait3A] : memref<2x10112x128xf32, #tpu.memory_space<hbm>> -> memref<1x632x128xf32, #tpu.memory_space<hbm>>
      %dma_wait3A_143 = tpu.memref_squeeze %dma_wait3A_142 : memref<1x632x128xf32, #tpu.memory_space<hbm>> -> memref<632x128xf32, #tpu.memory_space<hbm>>
      %dma_wait3A_144 = arith.constant 0 : i32
      %dma_wait3A_145 = tpu.memref_slice %arg13[%mul3A_15, %dma_wait3A_144] : memref<10112x128xf32, #tpu.memory_space<vmem_shared>> -> memref<632x128xf32, #tpu.memory_space<vmem_shared>>
      tpu.wait_dma2 semaphore(%run_scoped3A : memref<!tpu.dma_semaphore, #tpu.memory_space<semaphore_mem>>) src(%dma_wait3A_145 : memref<632x128xf32, #tpu.memory_space<vmem_shared>>) dst(%dma_wait3A_143 : memref<632x128xf32, #tpu.memory_space<hbm>>)
      tpu.yield
    }) : () -> ()
    %scan3A_66 = arith.constant 0 : i32
    %scan3A_67 = arith.constant 0 : i32
    %scan3A_68 = arith.constant 128 : i32
    %scan3A_69 = arith.addi %scan3A_67, %scan3A_68 : i32
    %scan3A_70 = arith.constant 1 : i32
    scf.for %scan3A_137 = %scan3A_67 to %scan3A_69 step %scan3A_70  : i32 {
      %broadcast_in_dim3A = arith.constant 0.000000e+00 : f32
      %broadcast_in_dim3A_138 = vector.broadcast %broadcast_in_dim3A : f32 to vector<16xf32>
      %swap3A = arith.index_cast %scan3A_137 : i32 to index
      %swap3A_139 = arith.constant 0 : index
      %swap3A_140 = tpu.vector_load %arg11[%swap3A, %swap3A_139] {strides = array<i32>} : memref<128x128xf32, #tpu.memory_space<vmem>>, vector<1x16xf32>,
      %swap3A_141 = vector.shape_cast %swap3A_140 : vector<1x16xf32> to vector<16xf32>
      %swap3A_142 = vector.shape_cast %broadcast_in_dim3A_138 : vector<16xf32> to vector<1x16xf32>
      tpu.vector_store %arg11[%swap3A, %swap3A_139], %swap3A_142 {strides = array<i32>} : memref<128x128xf32, #tpu.memory_space<vmem>>, vector<1x16xf32>,
      %broadcast_in_dim3A_143 = arith.constant 0.000000e+00 : f32
      %broadcast_in_dim3A_144 = vector.broadcast %broadcast_in_dim3A_143 : f32 to vector<16xf32>
      %swap3A_145 = arith.index_cast %scan3A_137 : i32 to index
      %swap3A_146 = arith.constant 16 : index
      %swap3A_147 = tpu.vector_load %arg11[%swap3A_145, %swap3A_146] {strides = array<i32>} : memref<128x128xf32, #tpu.memory_space<vmem>>, vector<1x16xf32>,
      %swap3A_148 = vector.shape_cast %swap3A_147 : vector<1x16xf32> to vector<16xf32>
      %swap3A_149 = vector.shape_cast %broadcast_in_dim3A_144 : vector<16xf32> to vector<1x16xf32>
      tpu.vector_store %arg11[%swap3A_145, %swap3A_146], %swap3A_149 {strides = array<i32>} : memref<128x128xf32, #tpu.memory_space<vmem>>, vector<1x16xf32>,
      %broadcast_in_dim3A_150 = arith.constant 0.000000e+00 : f32
      %broadcast_in_dim3A_151 = vector.broadcast %broadcast_in_dim3A_150 : f32 to vector<16xf32>
      %swap3A_152 = arith.index_cast %scan3A_137 : i32 to index
      %swap3A_153 = arith.constant 32 : index
      %swap3A_154 = tpu.vector_load %arg11[%swap3A_152, %swap3A_153] {strides = array<i32>} : memref<128x128xf32, #tpu.memory_space<vmem>>, vector<1x16xf32>,
      %swap3A_155 = vector.shape_cast %swap3A_154 : vector<1x16xf32> to vector<16xf32>
      %swap3A_156 = vector.shape_cast %broadcast_in_dim3A_151 : vector<16xf32> to vector<1x16xf32>
      tpu.vector_store %arg11[%swap3A_152, %swap3A_153], %swap3A_156 {strides = array<i32>} : memref<128x128xf32, #tpu.memory_space<vmem>>, vector<1x16xf32>,
      %broadcast_in_dim3A_157 = arith.constant 0.000000e+00 : f32
      %broadcast_in_dim3A_158 = vector.broadcast %broadcast_in_dim3A_157 : f32 to vector<16xf32>
      %swap3A_159 = arith.index_cast %scan3A_137 : i32 to index
      %swap3A_160 = arith.constant 48 : index
      %swap3A_161 = tpu.vector_load %arg11[%swap3A_159, %swap3A_160] {strides = array<i32>} : memref<128x128xf32, #tpu.memory_space<vmem>>, vector<1x16xf32>,
      %swap3A_162 = vector.shape_cast %swap3A_161 : vector<1x16xf32> to vector<16xf32>
      %swap3A_163 = vector.shape_cast %broadcast_in_dim3A_158 : vector<16xf32> to vector<1x16xf32>
      tpu.vector_store %arg11[%swap3A_159, %swap3A_160], %swap3A_163 {strides = array<i32>} : memref<128x128xf32, #tpu.memory_space<vmem>>, vector<1x16xf32>,
      %broadcast_in_dim3A_164 = arith.constant 0.000000e+00 : f32
      %broadcast_in_dim3A_165 = vector.broadcast %broadcast_in_dim3A_164 : f32 to vector<16xf32>
      %swap3A_166 = arith.index_cast %scan3A_137 : i32 to index
      %swap3A_167 = arith.constant 64 : index
      %swap3A_168 = tpu.vector_load %arg11[%swap3A_166, %swap3A_167] {strides = array<i32>} : memref<128x128xf32, #tpu.memory_space<vmem>>, vector<1x16xf32>,
      %swap3A_169 = vector.shape_cast %swap3A_168 : vector<1x16xf32> to vector<16xf32>
      %swap3A_170 = vector.shape_cast %broadcast_in_dim3A_165 : vector<16xf32> to vector<1x16xf32>
      tpu.vector_store %arg11[%swap3A_166, %swap3A_167], %swap3A_170 {strides = array<i32>} : memref<128x128xf32, #tpu.memory_space<vmem>>, vector<1x16xf32>,
      %broadcast_in_dim3A_171 = arith.constant 0.000000e+00 : f32
      %broadcast_in_dim3A_172 = vector.broadcast %broadcast_in_dim3A_171 : f32 to vector<16xf32>
      %swap3A_173 = arith.index_cast %scan3A_137 : i32 to index
      %swap3A_174 = arith.constant 80 : index
      %swap3A_175 = tpu.vector_load %arg11[%swap3A_173, %swap3A_174] {strides = array<i32>} : memref<128x128xf32, #tpu.memory_space<vmem>>, vector<1x16xf32>,
      %swap3A_176 = vector.shape_cast %swap3A_175 : vector<1x16xf32> to vector<16xf32>
      %swap3A_177 = vector.shape_cast %broadcast_in_dim3A_172 : vector<16xf32> to vector<1x16xf32>
      tpu.vector_store %arg11[%swap3A_173, %swap3A_174], %swap3A_177 {strides = array<i32>} : memref<128x128xf32, #tpu.memory_space<vmem>>, vector<1x16xf32>,
      %broadcast_in_dim3A_178 = arith.constant 0.000000e+00 : f32
      %broadcast_in_dim3A_179 = vector.broadcast %broadcast_in_dim3A_178 : f32 to vector<16xf32>
      %swap3A_180 = arith.index_cast %scan3A_137 : i32 to index
      %swap3A_181 = arith.constant 96 : index
      %swap3A_182 = tpu.vector_load %arg11[%swap3A_180, %swap3A_181] {strides = array<i32>} : memref<128x128xf32, #tpu.memory_space<vmem>>, vector<1x16xf32>,
      %swap3A_183 = vector.shape_cast %swap3A_182 : vector<1x16xf32> to vector<16xf32>
      %swap3A_184 = vector.shape_cast %broadcast_in_dim3A_179 : vector<16xf32> to vector<1x16xf32>
      tpu.vector_store %arg11[%swap3A_180, %swap3A_181], %swap3A_184 {strides = array<i32>} : memref<128x128xf32, #tpu.memory_space<vmem>>, vector<1x16xf32>,
      %broadcast_in_dim3A_185 = arith.constant 0.000000e+00 : f32
      %broadcast_in_dim3A_186 = vector.broadcast %broadcast_in_dim3A_185 : f32 to vector<16xf32>
      %swap3A_187 = arith.index_cast %scan3A_137 : i32 to index
      %swap3A_188 = arith.constant 112 : index
      %swap3A_189 = tpu.vector_load %arg11[%swap3A_187, %swap3A_188] {strides = array<i32>} : memref<128x128xf32, #tpu.memory_space<vmem>>, vector<1x16xf32>,
      %swap3A_190 = vector.shape_cast %swap3A_189 : vector<1x16xf32> to vector<16xf32>
      %swap3A_191 = vector.shape_cast %broadcast_in_dim3A_186 : vector<16xf32> to vector<1x16xf32>
      tpu.vector_store %arg11[%swap3A_187, %swap3A_188], %swap3A_191 {strides = array<i32>} : memref<128x128xf32, #tpu.memory_space<vmem>>, vector<1x16xf32>,
    }
    %scan3A_71 = arith.constant 128 : i32
    %scan3A_72 = arith.constant 0 : i32
    %scan3A_73 = arith.constant 0 : i32
    %scan3A_74 = arith.constant 4 : i32
    %scan3A_75 = arith.addi %scan3A_73, %scan3A_74 : i32
    %scan3A_76 = arith.constant 1 : i32
    scf.for %scan3A_137 = %scan3A_73 to %scan3A_75 step %scan3A_76  : i32 {
      %mul3A_138 = arith.constant 128 : i32
      %mul3A_139 = arith.muli %scan3A_137, %mul3A_138 : i32
      %add3A_140 = arith.addi %mul3A_15, %mul3A_139 : i32
      "tpu.region"() ({
        %run_scoped3A = tpu.sem_alloc : memref<!tpu.dma_semaphore, #tpu.memory_space<semaphore_mem>>
        %dma_start3A_141 = arith.constant 0 : i32
        %dma_start3A_142 = tpu.memref_slice %arg13[%add3A_140, %dma_start3A_141] : memref<10112x128xf32, #tpu.memory_space<vmem_shared>> -> memref<128x128xf32, #tpu.memory_space<vmem_shared>>
        %dma_start3A_143 = arith.constant 0 : i32
        %dma_start3A_144 = tpu.memref_slice %arg13[%add3A_140, %dma_start3A_143] : memref<10112x128xf32, #tpu.memory_space<vmem_shared>> -> memref<128x128xf32, #tpu.memory_space<vmem_shared>>
        tpu.enqueue_dma source(%arg11 : memref<128x128xf32, #tpu.memory_space<vmem>>) target(%dma_start3A_144 : memref<128x128xf32, #tpu.memory_space<vmem_shared>>) target_semaphore(%run_scoped3A : memref<!tpu.dma_semaphore, #tpu.memory_space<semaphore_mem>>)
        %dma_wait3A = arith.constant 0 : i32
        %dma_wait3A_145 = tpu.memref_slice %arg13[%add3A_140, %dma_wait3A] : memref<10112x128xf32, #tpu.memory_space<vmem_shared>> -> memref<128x128xf32, #tpu.memory_space<vmem_shared>>
        %dma_wait3A_146 = arith.constant 0 : i32
        %dma_wait3A_147 = tpu.memref_slice %arg13[%add3A_140, %dma_wait3A_146] : memref<10112x128xf32, #tpu.memory_space<vmem_shared>> -> memref<128x128xf32, #tpu.memory_space<vmem_shared>>
        tpu.wait_dma2 semaphore(%run_scoped3A : memref<!tpu.dma_semaphore, #tpu.memory_space<semaphore_mem>>) src(%arg11 : memref<128x128xf32, #tpu.memory_space<vmem>>) dst(%dma_wait3A_147 : memref<128x128xf32, #tpu.memory_space<vmem_shared>>)
        tpu.yield
      }) : () -> ()
    }
    %scan3A_77 = arith.constant 4 : i32
    %add3A_78 = arith.constant 512 : i32
    %add3A_79 = arith.addi %mul3A_15, %add3A_78 : i32
    "tpu.region"() ({
      %run_scoped3A = tpu.sem_alloc : memref<!tpu.dma_semaphore, #tpu.memory_space<semaphore_mem>>
      %dma_start3A_137 = arith.constant 0 : i32
      %dma_start3A_138 = arith.constant 0 : i32
      %dma_start3A_139 = tpu.memref_slice %arg11[%dma_start3A_137, %dma_start3A_138] : memref<128x128xf32, #tpu.memory_space<vmem>> -> memref<120x128xf32, #tpu.memory_space<vmem>>
      %dma_start3A_140 = arith.constant 0 : i32
      %dma_start3A_141 = tpu.memref_slice %arg13[%add3A_79, %dma_start3A_140] : memref<10112x128xf32, #tpu.memory_space<vmem_shared>> -> memref<120x128xf32, #tpu.memory_space<vmem_shared>>
      %dma_start3A_142 = arith.constant 0 : i32
      %dma_start3A_143 = tpu.memref_slice %arg13[%add3A_79, %dma_start3A_142] : memref<10112x128xf32, #tpu.memory_space<vmem_shared>> -> memref<120x128xf32, #tpu.memory_space<vmem_shared>>
      %dma_start3A_144 = arith.constant 0 : i32
      %dma_start3A_145 = arith.constant 0 : i32
      %dma_start3A_146 = tpu.memref_slice %arg11[%dma_start3A_144, %dma_start3A_145] : memref<128x128xf32, #tpu.memory_space<vmem>> -> memref<120x128xf32, #tpu.memory_space<vmem>>
      tpu.enqueue_dma source(%dma_start3A_146 : memref<120x128xf32, #tpu.memory_space<vmem>>) target(%dma_start3A_143 : memref<120x128xf32, #tpu.memory_space<vmem_shared>>) target_semaphore(%run_scoped3A : memref<!tpu.dma_semaphore, #tpu.memory_space<semaphore_mem>>)
      %dma_wait3A = arith.constant 0 : i32
      %dma_wait3A_147 = arith.constant 0 : i32
      %dma_wait3A_148 = tpu.memref_slice %arg11[%dma_wait3A, %dma_wait3A_147] : memref<128x128xf32, #tpu.memory_space<vmem>> -> memref<120x128xf32, #tpu.memory_space<vmem>>
      %dma_wait3A_149 = arith.constant 0 : i32
      %dma_wait3A_150 = tpu.memref_slice %arg13[%add3A_79, %dma_wait3A_149] : memref<10112x128xf32, #tpu.memory_space<vmem_shared>> -> memref<120x128xf32, #tpu.memory_space<vmem_shared>>
      %dma_wait3A_151 = arith.constant 0 : i32
      %dma_wait3A_152 = tpu.memref_slice %arg13[%add3A_79, %dma_wait3A_151] : memref<10112x128xf32, #tpu.memory_space<vmem_shared>> -> memref<120x128xf32, #tpu.memory_space<vmem_shared>>
      %dma_wait3A_153 = arith.constant 0 : i32
      %dma_wait3A_154 = arith.constant 0 : i32
      %dma_wait3A_155 = tpu.memref_slice %arg11[%dma_wait3A_153, %dma_wait3A_154] : memref<128x128xf32, #tpu.memory_space<vmem>> -> memref<120x128xf32, #tpu.memory_space<vmem>>
      tpu.wait_dma2 semaphore(%run_scoped3A : memref<!tpu.dma_semaphore, #tpu.memory_space<semaphore_mem>>) src(%dma_wait3A_155 : memref<120x128xf32, #tpu.memory_space<vmem>>) dst(%dma_wait3A_152 : memref<120x128xf32, #tpu.memory_space<vmem_shared>>)
      tpu.yield
    }) : () -> ()
    %scan3A_80 = arith.constant 0 : i32
    %scan3A_81 = arith.constant 0 : i32
    %scan3A_82 = arith.constant 128 : i32
    %scan3A_83 = arith.addi %scan3A_81, %scan3A_82 : i32
    %scan3A_84 = arith.constant 1 : i32
    scf.for %scan3A_137 = %scan3A_81 to %scan3A_83 step %scan3A_84  : i32 {
      %broadcast_in_dim3A = arith.constant 1.000000e+00 : f32
      %broadcast_in_dim3A_138 = vector.broadcast %broadcast_in_dim3A : f32 to vector<16xf32>
      %swap3A = arith.index_cast %scan3A_137 : i32 to index
      %swap3A_139 = arith.constant 0 : index
      %swap3A_140 = tpu.vector_load %arg11[%swap3A, %swap3A_139] {strides = array<i32>} : memref<128x128xf32, #tpu.memory_space<vmem>>, vector<1x16xf32>,
      %swap3A_141 = vector.shape_cast %swap3A_140 : vector<1x16xf32> to vector<16xf32>
      %swap3A_142 = vector.shape_cast %broadcast_in_dim3A_138 : vector<16xf32> to vector<1x16xf32>
      tpu.vector_store %arg11[%swap3A, %swap3A_139], %swap3A_142 {strides = array<i32>} : memref<128x128xf32, #tpu.memory_space<vmem>>, vector<1x16xf32>,
      %broadcast_in_dim3A_143 = arith.constant 1.000000e+00 : f32
      %broadcast_in_dim3A_144 = vector.broadcast %broadcast_in_dim3A_143 : f32 to vector<16xf32>
      %swap3A_145 = arith.index_cast %scan3A_137 : i32 to index
      %swap3A_146 = arith.constant 16 : index
      %swap3A_147 = tpu.vector_load %arg11[%swap3A_145, %swap3A_146] {strides = array<i32>} : memref<128x128xf32, #tpu.memory_space<vmem>>, vector<1x16xf32>,
      %swap3A_148 = vector.shape_cast %swap3A_147 : vector<1x16xf32> to vector<16xf32>
      %swap3A_149 = vector.shape_cast %broadcast_in_dim3A_144 : vector<16xf32> to vector<1x16xf32>
      tpu.vector_store %arg11[%swap3A_145, %swap3A_146], %swap3A_149 {strides = array<i32>} : memref<128x128xf32, #tpu.memory_space<vmem>>, vector<1x16xf32>,
      %broadcast_in_dim3A_150 = arith.constant 1.000000e+00 : f32
      %broadcast_in_dim3A_151 = vector.broadcast %broadcast_in_dim3A_150 : f32 to vector<16xf32>
      %swap3A_152 = arith.index_cast %scan3A_137 : i32 to index
      %swap3A_153 = arith.constant 32 : index
      %swap3A_154 = tpu.vector_load %arg11[%swap3A_152, %swap3A_153] {strides = array<i32>} : memref<128x128xf32, #tpu.memory_space<vmem>>, vector<1x16xf32>,
      %swap3A_155 = vector.shape_cast %swap3A_154 : vector<1x16xf32> to vector<16xf32>
      %swap3A_156 = vector.shape_cast %broadcast_in_dim3A_151 : vector<16xf32> to vector<1x16xf32>
      tpu.vector_store %arg11[%swap3A_152, %swap3A_153], %swap3A_156 {strides = array<i32>} : memref<128x128xf32, #tpu.memory_space<vmem>>, vector<1x16xf32>,
      %broadcast_in_dim3A_157 = arith.constant 1.000000e+00 : f32
      %broadcast_in_dim3A_158 = vector.broadcast %broadcast_in_dim3A_157 : f32 to vector<16xf32>
      %swap3A_159 = arith.index_cast %scan3A_137 : i32 to index
      %swap3A_160 = arith.constant 48 : index
      %swap3A_161 = tpu.vector_load %arg11[%swap3A_159, %swap3A_160] {strides = array<i32>} : memref<128x128xf32, #tpu.memory_space<vmem>>, vector<1x16xf32>,
      %swap3A_162 = vector.shape_cast %swap3A_161 : vector<1x16xf32> to vector<16xf32>
      %swap3A_163 = vector.shape_cast %broadcast_in_dim3A_158 : vector<16xf32> to vector<1x16xf32>
      tpu.vector_store %arg11[%swap3A_159, %swap3A_160], %swap3A_163 {strides = array<i32>} : memref<128x128xf32, #tpu.memory_space<vmem>>, vector<1x16xf32>,
      %broadcast_in_dim3A_164 = arith.constant 1.000000e+00 : f32
      %broadcast_in_dim3A_165 = vector.broadcast %broadcast_in_dim3A_164 : f32 to vector<16xf32>
      %swap3A_166 = arith.index_cast %scan3A_137 : i32 to index
      %swap3A_167 = arith.constant 64 : index
      %swap3A_168 = tpu.vector_load %arg11[%swap3A_166, %swap3A_167] {strides = array<i32>} : memref<128x128xf32, #tpu.memory_space<vmem>>, vector<1x16xf32>,
      %swap3A_169 = vector.shape_cast %swap3A_168 : vector<1x16xf32> to vector<16xf32>
      %swap3A_170 = vector.shape_cast %broadcast_in_dim3A_165 : vector<16xf32> to vector<1x16xf32>
      tpu.vector_store %arg11[%swap3A_166, %swap3A_167], %swap3A_170 {strides = array<i32>} : memref<128x128xf32, #tpu.memory_space<vmem>>, vector<1x16xf32>,
      %broadcast_in_dim3A_171 = arith.constant 1.000000e+00 : f32
      %broadcast_in_dim3A_172 = vector.broadcast %broadcast_in_dim3A_171 : f32 to vector<16xf32>
      %swap3A_173 = arith.index_cast %scan3A_137 : i32 to index
      %swap3A_174 = arith.constant 80 : index
      %swap3A_175 = tpu.vector_load %arg11[%swap3A_173, %swap3A_174] {strides = array<i32>} : memref<128x128xf32, #tpu.memory_space<vmem>>, vector<1x16xf32>,
      %swap3A_176 = vector.shape_cast %swap3A_175 : vector<1x16xf32> to vector<16xf32>
      %swap3A_177 = vector.shape_cast %broadcast_in_dim3A_172 : vector<16xf32> to vector<1x16xf32>
      tpu.vector_store %arg11[%swap3A_173, %swap3A_174], %swap3A_177 {strides = array<i32>} : memref<128x128xf32, #tpu.memory_space<vmem>>, vector<1x16xf32>,
      %broadcast_in_dim3A_178 = arith.constant 1.000000e+00 : f32
      %broadcast_in_dim3A_179 = vector.broadcast %broadcast_in_dim3A_178 : f32 to vector<16xf32>
      %swap3A_180 = arith.index_cast %scan3A_137 : i32 to index
      %swap3A_181 = arith.constant 96 : index
      %swap3A_182 = tpu.vector_load %arg11[%swap3A_180, %swap3A_181] {strides = array<i32>} : memref<128x128xf32, #tpu.memory_space<vmem>>, vector<1x16xf32>,
      %swap3A_183 = vector.shape_cast %swap3A_182 : vector<1x16xf32> to vector<16xf32>
      %swap3A_184 = vector.shape_cast %broadcast_in_dim3A_179 : vector<16xf32> to vector<1x16xf32>
      tpu.vector_store %arg11[%swap3A_180, %swap3A_181], %swap3A_184 {strides = array<i32>} : memref<128x128xf32, #tpu.memory_space<vmem>>, vector<1x16xf32>,
      %broadcast_in_dim3A_185 = arith.constant 1.000000e+00 : f32
      %broadcast_in_dim3A_186 = vector.broadcast %broadcast_in_dim3A_185 : f32 to vector<16xf32>
      %swap3A_187 = arith.index_cast %scan3A_137 : i32 to index
      %swap3A_188 = arith.constant 112 : index
      %swap3A_189 = tpu.vector_load %arg11[%swap3A_187, %swap3A_188] {strides = array<i32>} : memref<128x128xf32, #tpu.memory_space<vmem>>, vector<1x16xf32>,
      %swap3A_190 = vector.shape_cast %swap3A_189 : vector<1x16xf32> to vector<16xf32>
      %swap3A_191 = vector.shape_cast %broadcast_in_dim3A_186 : vector<16xf32> to vector<1x16xf32>
      tpu.vector_store %arg11[%swap3A_187, %swap3A_188], %swap3A_191 {strides = array<i32>} : memref<128x128xf32, #tpu.memory_space<vmem>>, vector<1x16xf32>,
    }
    %scan3A_85 = arith.constant 128 : i32
    %add3A_86 = arith.constant 0 : i32
    %add3A_87 = arith.addi %select_n3A, %add3A_86 : i32
    %mul3A_88 = arith.constant 128 : i32
    %mul3A_89 = arith.muli %add3A_87, %mul3A_88 : i32
    %multiple_of3A_90 = tpu.assume_multiple %mul3A_89, 128 : i32
    "tpu.region"() ({
      %run_scoped3A = tpu.sem_alloc : memref<!tpu.dma_semaphore, #tpu.memory_space<semaphore_mem>>
      %dma_start3A_137 = tpu.memref_slice %arg3[%multiple_of3A_90] : memref<323584xi32, #tpu.memory_space<hbm>> -> memref<128xi32, #tpu.memory_space<hbm>>
      %dma_start3A_138 = tpu.memref_slice %arg3[%multiple_of3A_90] : memref<323584xi32, #tpu.memory_space<hbm>> -> memref<128xi32, #tpu.memory_space<hbm>>
      tpu.enqueue_dma source(%dma_start3A_138 : memref<128xi32, #tpu.memory_space<hbm>>) target(%arg8 : memref<128xi32, #tpu.memory_space<vmem>>) target_semaphore(%run_scoped3A : memref<!tpu.dma_semaphore, #tpu.memory_space<semaphore_mem>>)
      %dma_wait3A = tpu.memref_slice %arg3[%multiple_of3A_90] : memref<323584xi32, #tpu.memory_space<hbm>> -> memref<128xi32, #tpu.memory_space<hbm>>
      %dma_wait3A_139 = tpu.memref_slice %arg3[%multiple_of3A_90] : memref<323584xi32, #tpu.memory_space<hbm>> -> memref<128xi32, #tpu.memory_space<hbm>>
      tpu.wait_dma2 semaphore(%run_scoped3A : memref<!tpu.dma_semaphore, #tpu.memory_space<semaphore_mem>>) src(%dma_wait3A_139 : memref<128xi32, #tpu.memory_space<hbm>>) dst(%arg8 : memref<128xi32, #tpu.memory_space<vmem>>)
      tpu.yield
    }) : () -> ()
    %add3A_91 = arith.constant 1 : i32
    %add3A_92 = arith.addi %select_n3A, %add3A_91 : i32
    %mul3A_93 = arith.constant 128 : i32
    %mul3A_94 = arith.muli %add3A_92, %mul3A_93 : i32
    %multiple_of3A_95 = tpu.assume_multiple %mul3A_94, 128 : i32
    "tpu.region"() ({
      %run_scoped3A = tpu.sem_alloc : memref<!tpu.dma_semaphore, #tpu.memory_space<semaphore_mem>>
      %dma_start3A_137 = tpu.memref_slice %arg3[%multiple_of3A_95] : memref<323584xi32, #tpu.memory_space<hbm>> -> memref<128xi32, #tpu.memory_space<hbm>>
      %dma_start3A_138 = tpu.memref_slice %arg3[%multiple_of3A_95] : memref<323584xi32, #tpu.memory_space<hbm>> -> memref<128xi32, #tpu.memory_space<hbm>>
      tpu.enqueue_dma source(%dma_start3A_138 : memref<128xi32, #tpu.memory_space<hbm>>) target(%arg10 : memref<128xi32, #tpu.memory_space<vmem>>) target_semaphore(%run_scoped3A : memref<!tpu.dma_semaphore, #tpu.memory_space<semaphore_mem>>)
      %dma_wait3A = tpu.memref_slice %arg3[%multiple_of3A_95] : memref<323584xi32, #tpu.memory_space<hbm>> -> memref<128xi32, #tpu.memory_space<hbm>>
      %dma_wait3A_139 = tpu.memref_slice %arg3[%multiple_of3A_95] : memref<323584xi32, #tpu.memory_space<hbm>> -> memref<128xi32, #tpu.memory_space<hbm>>
      tpu.wait_dma2 semaphore(%run_scoped3A : memref<!tpu.dma_semaphore, #tpu.memory_space<semaphore_mem>>) src(%dma_wait3A_139 : memref<128xi32, #tpu.memory_space<hbm>>) dst(%arg10 : memref<128xi32, #tpu.memory_space<vmem>>)
      tpu.yield
    }) : () -> ()
    %barrier3A_96 = arith.constant 0 : index
    tpu.barrier barrier_id(%barrier3A_96)
    %dma_start3A_97 = arith.constant 0 : i32
    %dma_start3A_98 = arith.constant 0 : i32
    %dma_start3A_99 = tpu.memref_slice %arg13[%dma_start3A_97, %dma_start3A_98] : memref<10112x128xf32, #tpu.memory_space<vmem_shared>> -> memref<10112x128xf32, #tpu.memory_space<vmem_shared>>
    tpu.enqueue_indirect_dma source(%arg11 : memref<128x128xf32, #tpu.memory_space<vmem>>) target(%dma_start3A_99 : memref<10112x128xf32, #tpu.memory_space<vmem_shared>>) offsets(%arg8 : memref<128xi32, #tpu.memory_space<vmem>>) semaphore(%arg14 : memref<!tpu.dma_semaphore, #tpu.memory_space<semaphore_mem>>) {add = true}
    %add3A_100 = arith.constant 1 : i32
    %add3A_101 = arith.addi %select_n3A_8, %add3A_100 : i32
    %jit3A_102 = arith.constant 2 : i32
    %div3A_103 = arith.divsi %add3A_101, %jit3A_102 : i32
    %sign3A_104 = arith.constant 0 : i32
    %sign3A_105 = arith.cmpi sgt, %add3A_101, %sign3A_104 : i32
    %sign3A_106 = arith.extui %sign3A_105 : i1 to i32
    %sign3A_107 = arith.constant 0 : i32
    %sign3A_108 = arith.cmpi slt, %add3A_101, %sign3A_107 : i32
    %sign3A_109 = arith.extui %sign3A_108 : i1 to i32
    %sign3A_110 = arith.subi %sign3A_106, %sign3A_109 : i32
    %sign3A_111 = arith.constant 0 : i32
    %sign3A_112 = arith.cmpi sgt, %jit3A_102, %sign3A_111 : i32
    %sign3A_113 = arith.extui %sign3A_112 : i1 to i32
    %sign3A_114 = arith.constant 0 : i32
    %sign3A_115 = arith.cmpi slt, %jit3A_102, %sign3A_114 : i32
    %sign3A_116 = arith.extui %sign3A_115 : i1 to i32
    %sign3A_117 = arith.subi %sign3A_113, %sign3A_116 : i32
    %ne3A_118 = arith.cmpi ne, %sign3A_110, %sign3A_117 : i32
    %rem3A_119 = arith.remsi %add3A_101, %jit3A_102 : i32
    %ne3A_120 = arith.constant 0 : i32
    %ne3A_121 = arith.cmpi ne, %rem3A_119, %ne3A_120 : i32
    %and3A_122 = arith.andi %ne3A_118, %ne3A_121 : i1
    %sub3A_123 = arith.constant 1 : i32
    %sub3A_124 = arith.subi %div3A_103, %sub3A_123 : i32
    %select_n3A_125 = arith.select %and3A_122, %sub3A_124, %div3A_103 : i32
    %while3A_126 = arith.constant 0 : i32
    %while3A_127 = arith.constant 0 : i32
    %while3A_128 = arith.subi %select_n3A_125, %while3A_127 : i32
    %while3A_129 = arith.addi %while3A_127, %while3A_128 : i32
    %while3A_130 = arith.constant 1 : i32
    %while3A_131 = arith.divsi %while3A_128, %while3A_130 : i32
    %while3A_132 = arith.muli %while3A_131, %while3A_130 : i32
    %while3A_133 = arith.addi %while3A_127, %while3A_132 : i32
    %while3A_134 = arith.constant 1 : i32
    scf.for %while3A_137 = %while3A_127 to %while3A_133 step %while3A_134  : i32 {
      %mul3A_138 = arith.constant 2 : i32
      %mul3A_139 = arith.muli %mul3A_138, %while3A_137 : i32
      %add3A_140 = arith.constant 0 : i32
      %add3A_141 = arith.addi %mul3A_139, %add3A_140 : i32
      %lt3A = arith.cmpi slt, %add3A_141, %select_n3A_8 : i32
      %convert_element_type3A = arith.extui %lt3A : i1 to i32
      %cond3A = arith.constant 0 : i32
      %cond3A_142 = arith.cmpi ne, %convert_element_type3A, %cond3A : i32
      scf.if %cond3A_142 {
        %add3A_151 = arith.constant 1 : i32
        %add3A_152 = arith.addi %add3A_141, %add3A_151 : i32
        %lt3A_153 = arith.cmpi slt, %add3A_152, %select_n3A_8 : i32
        %convert_element_type3A_154 = arith.extui %lt3A_153 : i1 to i32
        %cond3A_155 = arith.constant 0 : i32
        %cond3A_156 = arith.cmpi ne, %convert_element_type3A_154, %cond3A_155 : i32
        scf.if %cond3A_156 {
          %dma_start3A_165 = arith.constant 0 : i32
          %dma_start3A_166 = arith.constant 0 : i32
          %dma_start3A_167 = tpu.memref_slice %arg13[%dma_start3A_165, %dma_start3A_166] : memref<10112x128xf32, #tpu.memory_space<vmem_shared>> -> memref<10112x128xf32, #tpu.memory_space<vmem_shared>>
          tpu.enqueue_indirect_dma source(%arg11 : memref<128x128xf32, #tpu.memory_space<vmem>>) target(%dma_start3A_167 : memref<10112x128xf32, #tpu.memory_space<vmem_shared>>) offsets(%arg10 : memref<128xi32, #tpu.memory_space<vmem>>) semaphore(%arg15 : memref<!tpu.dma_semaphore, #tpu.memory_space<semaphore_mem>>) {add = true}
        } else {
        }
        %dma_wait3A = arith.constant 0 : i32
        %dma_wait3A_157 = arith.constant 0 : i32
        %dma_wait3A_158 = tpu.memref_slice %arg13[%dma_wait3A, %dma_wait3A_157] : memref<10112x128xf32, #tpu.memory_space<vmem_shared>> -> memref<10112x128xf32, #tpu.memory_space<vmem_shared>>
        tpu.wait_indirect_dma semaphore(%arg14 : memref<!tpu.dma_semaphore, #tpu.memory_space<semaphore_mem>>) src(%arg11 : memref<128x128xf32, #tpu.memory_space<vmem>>) dst(%dma_wait3A_158 : memref<10112x128xf32, #tpu.memory_space<vmem_shared>>)
        %add3A_159 = arith.constant 2 : i32
        %add3A_160 = arith.addi %add3A_141, %add3A_159 : i32
        %lt3A_161 = arith.cmpi slt, %add3A_160, %select_n3A_8 : i32
        %convert_element_type3A_162 = arith.extui %lt3A_161 : i1 to i32
        %cond3A_163 = arith.constant 0 : i32
        %cond3A_164 = arith.cmpi ne, %convert_element_type3A_162, %cond3A_163 : i32
        scf.if %cond3A_164 {
          %add3A_165 = arith.constant 2 : i32
          %add3A_166 = arith.addi %add3A_141, %add3A_165 : i32
          %add3A_167 = arith.addi %select_n3A, %add3A_166 : i32
          %mul3A_168 = arith.constant 128 : i32
          %mul3A_169 = arith.muli %add3A_167, %mul3A_168 : i32
          %multiple_of3A_170 = tpu.assume_multiple %mul3A_169, 128 : i32
          "tpu.region"() ({
            %run_scoped3A = tpu.sem_alloc : memref<!tpu.dma_semaphore, #tpu.memory_space<semaphore_mem>>
            %dma_start3A_171 = tpu.memref_slice %arg3[%multiple_of3A_170] : memref<323584xi32, #tpu.memory_space<hbm>> -> memref<128xi32, #tpu.memory_space<hbm>>
            %dma_start3A_172 = tpu.memref_slice %arg3[%multiple_of3A_170] : memref<323584xi32, #tpu.memory_space<hbm>> -> memref<128xi32, #tpu.memory_space<hbm>>
            tpu.enqueue_dma source(%dma_start3A_172 : memref<128xi32, #tpu.memory_space<hbm>>) target(%arg8 : memref<128xi32, #tpu.memory_space<vmem>>) target_semaphore(%run_scoped3A : memref<!tpu.dma_semaphore, #tpu.memory_space<semaphore_mem>>)
            %dma_wait3A_173 = tpu.memref_slice %arg3[%multiple_of3A_170] : memref<323584xi32, #tpu.memory_space<hbm>> -> memref<128xi32, #tpu.memory_space<hbm>>
            %dma_wait3A_174 = tpu.memref_slice %arg3[%multiple_of3A_170] : memref<323584xi32, #tpu.memory_space<hbm>> -> memref<128xi32, #tpu.memory_space<hbm>>
            tpu.wait_dma2 semaphore(%run_scoped3A : memref<!tpu.dma_semaphore, #tpu.memory_space<semaphore_mem>>) src(%dma_wait3A_174 : memref<128xi32, #tpu.memory_space<hbm>>) dst(%arg8 : memref<128xi32, #tpu.memory_space<vmem>>)
            tpu.yield
          }) : () -> ()
        } else {
        }
      } else {
      }
      %mul3A_143 = arith.constant 2 : i32
      %mul3A_144 = arith.muli %mul3A_143, %while3A_137 : i32
      %add3A_145 = arith.constant 1 : i32
      %add3A_146 = arith.addi %mul3A_144, %add3A_145 : i32
      %lt3A_147 = arith.cmpi slt, %add3A_146, %select_n3A_8 : i32
      %convert_element_type3A_148 = arith.extui %lt3A_147 : i1 to i32
      %cond3A_149 = arith.constant 0 : i32
      %cond3A_150 = arith.cmpi ne, %convert_element_type3A_148, %cond3A_149 : i32
      scf.if %cond3A_150 {
        %add3A_151 = arith.constant 1 : i32
        %add3A_152 = arith.addi %add3A_146, %add3A_151 : i32
        %lt3A_153 = arith.cmpi slt, %add3A_152, %select_n3A_8 : i32
        %convert_element_type3A_154 = arith.extui %lt3A_153 : i1 to i32
        %cond3A_155 = arith.constant 0 : i32
        %cond3A_156 = arith.cmpi ne, %convert_element_type3A_154, %cond3A_155 : i32
        scf.if %cond3A_156 {
          %dma_start3A_165 = arith.constant 0 : i32
          %dma_start3A_166 = arith.constant 0 : i32
          %dma_start3A_167 = tpu.memref_slice %arg13[%dma_start3A_165, %dma_start3A_166] : memref<10112x128xf32, #tpu.memory_space<vmem_shared>> -> memref<10112x128xf32, #tpu.memory_space<vmem_shared>>
          tpu.enqueue_indirect_dma source(%arg11 : memref<128x128xf32, #tpu.memory_space<vmem>>) target(%dma_start3A_167 : memref<10112x128xf32, #tpu.memory_space<vmem_shared>>) offsets(%arg8 : memref<128xi32, #tpu.memory_space<vmem>>) semaphore(%arg14 : memref<!tpu.dma_semaphore, #tpu.memory_space<semaphore_mem>>) {add = true}
        } else {
        }
        %dma_wait3A = arith.constant 0 : i32
        %dma_wait3A_157 = arith.constant 0 : i32
        %dma_wait3A_158 = tpu.memref_slice %arg13[%dma_wait3A, %dma_wait3A_157] : memref<10112x128xf32, #tpu.memory_space<vmem_shared>> -> memref<10112x128xf32, #tpu.memory_space<vmem_shared>>
        tpu.wait_indirect_dma semaphore(%arg15 : memref<!tpu.dma_semaphore, #tpu.memory_space<semaphore_mem>>) src(%arg11 : memref<128x128xf32, #tpu.memory_space<vmem>>) dst(%dma_wait3A_158 : memref<10112x128xf32, #tpu.memory_space<vmem_shared>>)
        %add3A_159 = arith.constant 2 : i32
        %add3A_160 = arith.addi %add3A_146, %add3A_159 : i32
        %lt3A_161 = arith.cmpi slt, %add3A_160, %select_n3A_8 : i32
        %convert_element_type3A_162 = arith.extui %lt3A_161 : i1 to i32
        %cond3A_163 = arith.constant 0 : i32
        %cond3A_164 = arith.cmpi ne, %convert_element_type3A_162, %cond3A_163 : i32
        scf.if %cond3A_164 {
          %add3A_165 = arith.constant 2 : i32
          %add3A_166 = arith.addi %add3A_146, %add3A_165 : i32
          %add3A_167 = arith.addi %select_n3A, %add3A_166 : i32
          %mul3A_168 = arith.constant 128 : i32
          %mul3A_169 = arith.muli %add3A_167, %mul3A_168 : i32
          %multiple_of3A_170 = tpu.assume_multiple %mul3A_169, 128 : i32
          "tpu.region"() ({
            %run_scoped3A = tpu.sem_alloc : memref<!tpu.dma_semaphore, #tpu.memory_space<semaphore_mem>>
            %dma_start3A_171 = tpu.memref_slice %arg3[%multiple_of3A_170] : memref<323584xi32, #tpu.memory_space<hbm>> -> memref<128xi32, #tpu.memory_space<hbm>>
            %dma_start3A_172 = tpu.memref_slice %arg3[%multiple_of3A_170] : memref<323584xi32, #tpu.memory_space<hbm>> -> memref<128xi32, #tpu.memory_space<hbm>>
            tpu.enqueue_dma source(%dma_start3A_172 : memref<128xi32, #tpu.memory_space<hbm>>) target(%arg10 : memref<128xi32, #tpu.memory_space<vmem>>) target_semaphore(%run_scoped3A : memref<!tpu.dma_semaphore, #tpu.memory_space<semaphore_mem>>)
            %dma_wait3A_173 = tpu.memref_slice %arg3[%multiple_of3A_170] : memref<323584xi32, #tpu.memory_space<hbm>> -> memref<128xi32, #tpu.memory_space<hbm>>
            %dma_wait3A_174 = tpu.memref_slice %arg3[%multiple_of3A_170] : memref<323584xi32, #tpu.memory_space<hbm>> -> memref<128xi32, #tpu.memory_space<hbm>>
            tpu.wait_dma2 semaphore(%run_scoped3A : memref<!tpu.dma_semaphore, #tpu.memory_space<semaphore_mem>>) src(%dma_wait3A_174 : memref<128xi32, #tpu.memory_space<hbm>>) dst(%arg10 : memref<128xi32, #tpu.memory_space<vmem>>)
            tpu.yield
          }) : () -> ()
        } else {
        }
      } else {
      }
    }
    %while3A_135 = arith.constant 1 : i32
    scf.for %while3A_137 = %while3A_133 to %while3A_129 step %while3A_135  : i32 {
      %mul3A_138 = arith.constant 2 : i32
      %mul3A_139 = arith.muli %mul3A_138, %while3A_137 : i32
      %add3A_140 = arith.constant 0 : i32
      %add3A_141 = arith.addi %mul3A_139, %add3A_140 : i32
      %lt3A = arith.cmpi slt, %add3A_141, %select_n3A_8 : i32
      %convert_element_type3A = arith.extui %lt3A : i1 to i32
      %cond3A = arith.constant 0 : i32
      %cond3A_142 = arith.cmpi ne, %convert_element_type3A, %cond3A : i32
      scf.if %cond3A_142 {
        %add3A_151 = arith.constant 1 : i32
        %add3A_152 = arith.addi %add3A_141, %add3A_151 : i32
        %lt3A_153 = arith.cmpi slt, %add3A_152, %select_n3A_8 : i32
        %convert_element_type3A_154 = arith.extui %lt3A_153 : i1 to i32
        %cond3A_155 = arith.constant 0 : i32
        %cond3A_156 = arith.cmpi ne, %convert_element_type3A_154, %cond3A_155 : i32
        scf.if %cond3A_156 {
          %dma_start3A_165 = arith.constant 0 : i32
          %dma_start3A_166 = arith.constant 0 : i32
          %dma_start3A_167 = tpu.memref_slice %arg13[%dma_start3A_165, %dma_start3A_166] : memref<10112x128xf32, #tpu.memory_space<vmem_shared>> -> memref<10112x128xf32, #tpu.memory_space<vmem_shared>>
          tpu.enqueue_indirect_dma source(%arg11 : memref<128x128xf32, #tpu.memory_space<vmem>>) target(%dma_start3A_167 : memref<10112x128xf32, #tpu.memory_space<vmem_shared>>) offsets(%arg10 : memref<128xi32, #tpu.memory_space<vmem>>) semaphore(%arg15 : memref<!tpu.dma_semaphore, #tpu.memory_space<semaphore_mem>>) {add = true}
        } else {
        }
        %dma_wait3A = arith.constant 0 : i32
        %dma_wait3A_157 = arith.constant 0 : i32
        %dma_wait3A_158 = tpu.memref_slice %arg13[%dma_wait3A, %dma_wait3A_157] : memref<10112x128xf32, #tpu.memory_space<vmem_shared>> -> memref<10112x128xf32, #tpu.memory_space<vmem_shared>>
        tpu.wait_indirect_dma semaphore(%arg14 : memref<!tpu.dma_semaphore, #tpu.memory_space<semaphore_mem>>) src(%arg11 : memref<128x128xf32, #tpu.memory_space<vmem>>) dst(%dma_wait3A_158 : memref<10112x128xf32, #tpu.memory_space<vmem_shared>>)
        %add3A_159 = arith.constant 2 : i32
        %add3A_160 = arith.addi %add3A_141, %add3A_159 : i32
        %lt3A_161 = arith.cmpi slt, %add3A_160, %select_n3A_8 : i32
        %convert_element_type3A_162 = arith.extui %lt3A_161 : i1 to i32
        %cond3A_163 = arith.constant 0 : i32
        %cond3A_164 = arith.cmpi ne, %convert_element_type3A_162, %cond3A_163 : i32
        scf.if %cond3A_164 {
          %add3A_165 = arith.constant 2 : i32
          %add3A_166 = arith.addi %add3A_141, %add3A_165 : i32
          %add3A_167 = arith.addi %select_n3A, %add3A_166 : i32
          %mul3A_168 = arith.constant 128 : i32
          %mul3A_169 = arith.muli %add3A_167, %mul3A_168 : i32
          %multiple_of3A_170 = tpu.assume_multiple %mul3A_169, 128 : i32
          "tpu.region"() ({
            %run_scoped3A = tpu.sem_alloc : memref<!tpu.dma_semaphore, #tpu.memory_space<semaphore_mem>>
            %dma_start3A_171 = tpu.memref_slice %arg3[%multiple_of3A_170] : memref<323584xi32, #tpu.memory_space<hbm>> -> memref<128xi32, #tpu.memory_space<hbm>>
            %dma_start3A_172 = tpu.memref_slice %arg3[%multiple_of3A_170] : memref<323584xi32, #tpu.memory_space<hbm>> -> memref<128xi32, #tpu.memory_space<hbm>>
            tpu.enqueue_dma source(%dma_start3A_172 : memref<128xi32, #tpu.memory_space<hbm>>) target(%arg8 : memref<128xi32, #tpu.memory_space<vmem>>) target_semaphore(%run_scoped3A : memref<!tpu.dma_semaphore, #tpu.memory_space<semaphore_mem>>)
            %dma_wait3A_173 = tpu.memref_slice %arg3[%multiple_of3A_170] : memref<323584xi32, #tpu.memory_space<hbm>> -> memref<128xi32, #tpu.memory_space<hbm>>
            %dma_wait3A_174 = tpu.memref_slice %arg3[%multiple_of3A_170] : memref<323584xi32, #tpu.memory_space<hbm>> -> memref<128xi32, #tpu.memory_space<hbm>>
            tpu.wait_dma2 semaphore(%run_scoped3A : memref<!tpu.dma_semaphore, #tpu.memory_space<semaphore_mem>>) src(%dma_wait3A_174 : memref<128xi32, #tpu.memory_space<hbm>>) dst(%arg8 : memref<128xi32, #tpu.memory_space<vmem>>)
            tpu.yield
          }) : () -> ()
        } else {
        }
      } else {
      }
      %mul3A_143 = arith.constant 2 : i32
      %mul3A_144 = arith.muli %mul3A_143, %while3A_137 : i32
      %add3A_145 = arith.constant 1 : i32
      %add3A_146 = arith.addi %mul3A_144, %add3A_145 : i32
      %lt3A_147 = arith.cmpi slt, %add3A_146, %select_n3A_8 : i32
      %convert_element_type3A_148 = arith.extui %lt3A_147 : i1 to i32
      %cond3A_149 = arith.constant 0 : i32
      %cond3A_150 = arith.cmpi ne, %convert_element_type3A_148, %cond3A_149 : i32
      scf.if %cond3A_150 {
        %add3A_151 = arith.constant 1 : i32
        %add3A_152 = arith.addi %add3A_146, %add3A_151 : i32
        %lt3A_153 = arith.cmpi slt, %add3A_152, %select_n3A_8 : i32
        %convert_element_type3A_154 = arith.extui %lt3A_153 : i1 to i32
        %cond3A_155 = arith.constant 0 : i32
        %cond3A_156 = arith.cmpi ne, %convert_element_type3A_154, %cond3A_155 : i32
        scf.if %cond3A_156 {
          %dma_start3A_165 = arith.constant 0 : i32
          %dma_start3A_166 = arith.constant 0 : i32
          %dma_start3A_167 = tpu.memref_slice %arg13[%dma_start3A_165, %dma_start3A_166] : memref<10112x128xf32, #tpu.memory_space<vmem_shared>> -> memref<10112x128xf32, #tpu.memory_space<vmem_shared>>
          tpu.enqueue_indirect_dma source(%arg11 : memref<128x128xf32, #tpu.memory_space<vmem>>) target(%dma_start3A_167 : memref<10112x128xf32, #tpu.memory_space<vmem_shared>>) offsets(%arg8 : memref<128xi32, #tpu.memory_space<vmem>>) semaphore(%arg14 : memref<!tpu.dma_semaphore, #tpu.memory_space<semaphore_mem>>) {add = true}
        } else {
        }
        %dma_wait3A = arith.constant 0 : i32
        %dma_wait3A_157 = arith.constant 0 : i32
        %dma_wait3A_158 = tpu.memref_slice %arg13[%dma_wait3A, %dma_wait3A_157] : memref<10112x128xf32, #tpu.memory_space<vmem_shared>> -> memref<10112x128xf32, #tpu.memory_space<vmem_shared>>
        tpu.wait_indirect_dma semaphore(%arg15 : memref<!tpu.dma_semaphore, #tpu.memory_space<semaphore_mem>>) src(%arg11 : memref<128x128xf32, #tpu.memory_space<vmem>>) dst(%dma_wait3A_158 : memref<10112x128xf32, #tpu.memory_space<vmem_shared>>)
        %add3A_159 = arith.constant 2 : i32
        %add3A_160 = arith.addi %add3A_146, %add3A_159 : i32
        %lt3A_161 = arith.cmpi slt, %add3A_160, %select_n3A_8 : i32
        %convert_element_type3A_162 = arith.extui %lt3A_161 : i1 to i32
        %cond3A_163 = arith.constant 0 : i32
        %cond3A_164 = arith.cmpi ne, %convert_element_type3A_162, %cond3A_163 : i32
        scf.if %cond3A_164 {
          %add3A_165 = arith.constant 2 : i32
          %add3A_166 = arith.addi %add3A_146, %add3A_165 : i32
          %add3A_167 = arith.addi %select_n3A, %add3A_166 : i32
          %mul3A_168 = arith.constant 128 : i32
          %mul3A_169 = arith.muli %add3A_167, %mul3A_168 : i32
          %multiple_of3A_170 = tpu.assume_multiple %mul3A_169, 128 : i32
          "tpu.region"() ({
            %run_scoped3A = tpu.sem_alloc : memref<!tpu.dma_semaphore, #tpu.memory_space<semaphore_mem>>
            %dma_start3A_171 = tpu.memref_slice %arg3[%multiple_of3A_170] : memref<323584xi32, #tpu.memory_space<hbm>> -> memref<128xi32, #tpu.memory_space<hbm>>
            %dma_start3A_172 = tpu.memref_slice %arg3[%multiple_of3A_170] : memref<323584xi32, #tpu.memory_space<hbm>> -> memref<128xi32, #tpu.memory_space<hbm>>
            tpu.enqueue_dma source(%dma_start3A_172 : memref<128xi32, #tpu.memory_space<hbm>>) target(%arg10 : memref<128xi32, #tpu.memory_space<vmem>>) target_semaphore(%run_scoped3A : memref<!tpu.dma_semaphore, #tpu.memory_space<semaphore_mem>>)
            %dma_wait3A_173 = tpu.memref_slice %arg3[%multiple_of3A_170] : memref<323584xi32, #tpu.memory_space<hbm>> -> memref<128xi32, #tpu.memory_space<hbm>>
            %dma_wait3A_174 = tpu.memref_slice %arg3[%multiple_of3A_170] : memref<323584xi32, #tpu.memory_space<hbm>> -> memref<128xi32, #tpu.memory_space<hbm>>
            tpu.wait_dma2 semaphore(%run_scoped3A : memref<!tpu.dma_semaphore, #tpu.memory_space<semaphore_mem>>) src(%dma_wait3A_174 : memref<128xi32, #tpu.memory_space<hbm>>) dst(%arg10 : memref<128xi32, #tpu.memory_space<vmem>>)
            tpu.yield
          }) : () -> ()
        } else {
        }
      } else {
      }
    }
    %barrier3A_136 = arith.constant 0 : index
    tpu.barrier barrier_id(%barrier3A_136)
    "tpu.region"() ({
      %run_scoped3A = tpu.sem_alloc : memref<!tpu.dma_semaphore, #tpu.memory_space<semaphore_mem>>
      %dma_start3A_137 = arith.constant 0 : i32
      %dma_start3A_138 = tpu.memref_slice %arg6[%arg0, %mul3A_15, %dma_start3A_137] : memref<2x10112x128xf32, #tpu.memory_space<hbm>> -> memref<1x632x128xf32, #tpu.memory_space<hbm>>
      %dma_start3A_139 = tpu.memref_squeeze %dma_start3A_138 : memref<1x632x128xf32, #tpu.memory_space<hbm>> -> memref<632x128xf32, #tpu.memory_space<hbm>>
      %dma_start3A_140 = arith.constant 0 : i32
      %dma_start3A_141 = tpu.memref_slice %arg13[%mul3A_15, %dma_start3A_140] : memref<10112x128xf32, #tpu.memory_space<vmem_shared>> -> memref<632x128xf32, #tpu.memory_space<vmem_shared>>
      tpu.enqueue_dma source(%dma_start3A_141 : memref<632x128xf32, #tpu.memory_space<vmem_shared>>) target(%dma_start3A_139 : memref<632x128xf32, #tpu.memory_space<hbm>>) target_semaphore(%run_scoped3A : memref<!tpu.dma_semaphore, #tpu.memory_space<semaphore_mem>>)
      %dma_wait3A = arith.constant 0 : i32
      %dma_wait3A_142 = tpu.memref_slice %arg6[%arg0, %mul3A_15, %dma_wait3A] : memref<2x10112x128xf32, #tpu.memory_space<hbm>> -> memref<1x632x128xf32, #tpu.memory_space<hbm>>
      %dma_wait3A_143 = tpu.memref_squeeze %dma_wait3A_142 : memref<1x632x128xf32, #tpu.memory_space<hbm>> -> memref<632x128xf32, #tpu.memory_space<hbm>>
      %dma_wait3A_144 = arith.constant 0 : i32
      %dma_wait3A_145 = tpu.memref_slice %arg13[%mul3A_15, %dma_wait3A_144] : memref<10112x128xf32, #tpu.memory_space<vmem_shared>> -> memref<632x128xf32, #tpu.memory_space<vmem_shared>>
      tpu.wait_dma2 semaphore(%run_scoped3A : memref<!tpu.dma_semaphore, #tpu.memory_space<semaphore_mem>>) src(%dma_wait3A_145 : memref<632x128xf32, #tpu.memory_space<vmem_shared>>) dst(%dma_wait3A_143 : memref<632x128xf32, #tpu.memory_space<hbm>>)
      tpu.yield
    }) : () -> ()
    return
  }
}

</mosaic_0001>

<sc_bundles>
// kernel: _sc_segsum.3.cloned.1.call-start
scs
__scs_entry_jumppad:
0x0: {  	(pc) =	sbr.rel $0x88, $3  }
0x1: {  	(tag) =	ssettag $0x0;
	lr =	simm.s32 $0x1  }
0x2: {  	[smem:$0x3F9E] =	sst lr;
	_ =	strace $0xD0000000  }
0x3: {  	_ = 	snop  }
0x4: {  	_ = 	snop  }
0x5: {  	_ = 	snop  }
0x6: {  	_ = 	snop  }
0x7: {  	_ = 	snop  }
__scs_overlays_trampoline_lowered:
0x8: {  	[smem:$0x3FAD] =	sst s0  }
0x9: {  	[smem:$0x3FAE] =	sst s1  }
0xa: {  	[smem:$0x3FAF] =	sst s2  }
0xb: {  	[smem:$0x3FB0] =	sst s3  }
0xc: {  	[smem:$0x3FB1] =	sst s4  }
0xd: {  	[smem:$0x3FB2] =	sst s5  }
0xe: {  	[smem:$0x3FB3] =	sst s6  }
0xf: {  	[smem:$0x3FB4] =	sst s7  }
0x10: {  	[smem:$0x3FB5] =	sst s8  }
0x11: {  	[smem:$0x3FB6] =	sst s9;
	s0 =	simm.s32 @!p0 $0x0  }
0x12: {  	s1 =	sld [smem:$0x3F9C];
	s0 =	simm.s32 @p0 $0x1  }
0x13: {  	[smem:$0x3FB7] =	sst s0;
	s0 =	simm.s32 @!p1 $0x0  }
0x14: {  	s2 =	sld [smem:$0x3F9B];
	s0 =	simm.s32 @p1 $0x1  }
0x15: {  	[smem:$0x3FB8] =	sst s0;
	s0 =	simm.s32 @!p2 $0x0  }
0x16: {  	s3 =	sld [smem:$0x3FDB];
	s0 =	simm.s32 @p2 $0x1  }
0x17: {  	s4 =	simm.s32 $0x1BF5;
	[smem:$0x3FBA] =	sst s0  }
0x18: {  	s0 =	sld [smem:$0x3F9D];
	_ =	swait.ge [sflag:s4], $0x0  }
0x19: {  	s7 =	sld [smem:$0x3F9E]  }
0x1a: {  	s8 =	sadd.s32 $0xFFFFE003, lr  }
0x1b: {  	s9 =	sadd.s32 $0xFFFFFEF7, lr;
	s5 =	simm.s32 $0xFFFFFFFF;
	p2 =	slt.u32 s8, $0xFFFFF086  }
0x1c: {  	p1 =	slt.u32 s9, $0xF7A;
	s5 =	simm.s32 @!p2 $0x0  }
0x1d: {  	s5 =	simm.s32 @p1 $0x1;
	p0 =	seq.s32 s7, s2  }
0x1e: {  	s7 =	smul.u32 @!p0 $0xF7A, s2;
	p2 =	seq.s32 @!p0 s5, $0x0  }
0x1f: {  	s9 =	smul.u32 $0xF7A, s1;
	s8 =	simm.s32 @!p0 $0x1BF5;
	p2 =	por !p2, p0  }
0x20: {  	[sflag:s8] =	ssyncset.s32 @!p0 $0xFFFFF086;
	s6 =	sadd.s32 @!p0 s3, s7;
	s7 =	simm.s32 @!p0 $0x108  }
0x21: {  	s3 =	sadd.s32 s3, s9;
	s6 =	sadd.s32 @!p0 $0x88, s6;
	s7 =	simm.s32 @p2 $0x1082  }
0x22: {  	[simem:s7], [sflag:s8] =	dma.local @!p0 [hbm:s6], $0xF7A  }
0x23: {  	s9 =	sor.u32 $0xD0000000, s2;
	s6 =	simm.s32 $0x108;
	_ =	swait.ge @!p0 [sflag:s8], $0x0  }
0x24: {  	s3 =	sadd.s32 $0x88, s3;
	s6 =	simm.s32 @!p1 $0x1082;
	[sflag:s4] =	ssyncset.s32 $0xFFFFF086  }
0x25: {  	[simem:s6], [sflag:s4] =	dma.local [hbm:s3], $0xF7A  }
0x26: {  	[smem:$0x3F9E] =	sst s1;
	(tag) =	ssettag s2;
	_ =	strace s9  }
0x27: {  	s1 =	sld [smem:$0x3FAE]  }
0x28: {  	s2 =	sld [smem:$0x3FAF]  }
0x29: {  	s4 =	sld [smem:$0x3FB1]  }
0x2a: {  	p0 =	seq.s32 s5, $0x0;
	s5 =	sld [smem:$0x3FB2]  }
0x2b: {  	s6 =	sld [smem:$0x3FB3]  }
0x2c: {  	s7 =	sld [smem:$0x3FB4]  }
0x2d: {  	s3 =	simm.s32 $0x108;
	s8 =	sld [smem:$0x3FB5]  }
0x2e: {  	s3 =	simm.s32 @!p0 $0x1082;
	s9 =	sld [smem:$0x3FB6]  }
0x2f: {  	lr =	sadd.s32 s0, s3;
	s0 =	sld [smem:$0x3FAD]  }
0x30: {  	s3 =	sld [smem:$0x3FB0]  }
0x31: {  	[smem:$0x3FB9] =	sst s10  }
0x32: {  	s10 =	sld [smem:$0x3FB7];
	_ =	sdelay $0x3  }
0x33: {  	p0 =	seq.s32 s10, $0x1;
	s10 =	sld [smem:$0x3FB9];
	_ =	sdelay $0x3  }
0x34: {  	[smem:$0x3FB9] =	sst s10  }
0x35: {  	s10 =	sld [smem:$0x3FB8];
	_ =	sdelay $0x3  }
0x36: {  	p1 =	seq.s32 s10, $0x1;
	s10 =	sld [smem:$0x3FB9];
	_ =	sdelay $0x3  }
0x37: {  	[smem:$0x3FB9] =	sst s10  }
0x38: {  	s10 =	sld [smem:$0x3FBA]  }
0x39: {  	_ = 	snop;
	(pc) =	sbr.ind lr, $3  }
0x3a: {  	_ = 	snop  }
0x3b: {  	_ = 	snop  }
0x3c: {  	p2 =	seq.s32 s10, $0x1;
	s10 =	sld [smem:$0x3FB9]  }
0x3d: {  	_ =	shalt  }
0x3e: {  	_ =	shalt  }
0x3f: {  	_ =	shalt  }
0x40: {  	_ =	shalt  }
0x41: {  	_ =	shalt  }
0x42: {  	_ =	shalt  }
0x43: {  	_ =	shalt  }
0x44: {  	_ =	shalt  }
0x45: {  	_ =	shalt  }
0x46: {  	_ =	shalt  }
0x47: {  	_ =	shalt  }
0x48: {  	_ =	shalt  }
0x49: {  	_ =	shalt  }
0x4a: {  	_ =	shalt  }
0x4b: {  	_ =	shalt  }
0x4c: {  	_ =	shalt  }
0x4d: {  	_ =	shalt  }
0x4e: {  	_ =	shalt  }
0x4f: {  	_ =	shalt  }
0x50: {  	_ =	shalt  }
0x51: {  	_ =	shalt  }
0x52: {  	_ =	shalt  }
0x53: {  	_ =	shalt  }
0x54: {  	_ =	shalt  }
0x55: {  	_ =	shalt  }
0x56: {  	_ =	shalt  }
0x57: {  	_ =	shalt  }
0x58: {  	_ =	shalt  }
0x59: {  	_ =	shalt  }
0x5a: {  	_ =	shalt  }
0x5b: {  	_ =	shalt  }
0x5c: {  	_ =	shalt  }
0x5d: {  	_ =	shalt  }
0x5e: {  	_ =	shalt  }
0x5f: {  	_ =	shalt  }
0x60: {  	_ =	shalt  }
0x61: {  	_ =	shalt  }
0x62: {  	_ =	shalt  }
0x63: {  	_ =	shalt  }
0x64: {  	_ =	shalt  }
0x65: {  	_ =	shalt  }
0x66: {  	_ =	shalt  }
0x67: {  	_ =	shalt  }
0x68: {  	_ =	shalt  }
0x69: {  	_ =	shalt  }
0x6a: {  	_ =	shalt  }
0x6b: {  	_ =	shalt  }
0x6c: {  	_ =	shalt  }
0x6d: {  	_ =	shalt  }
0x6e: {  	_ =	shalt  }
0x6f: {  	_ =	shalt  }
0x70: {  	_ =	shalt  }
0x71: {  	_ =	shalt  }
0x72: {  	_ =	shalt  }
0x73: {  	_ =	shalt  }
0x74: {  	_ =	shalt  }
0x75: {  	_ =	shalt  }
0x76: {  	_ =	shalt  }
0x77: {  	_ =	shalt  }
0x78: {  	_ =	shalt  }
0x79: {  	_ =	shalt  }
0x7a: {  	_ =	shalt  }
0x7b: {  	_ =	shalt  }
0x7c: {  	_ =	shalt  }
0x7d: {  	_ =	shalt  }
0x7e: {  	_ =	shalt  }
0x7f: {  	_ =	shalt  }
0x80: {  	_ =	shalt  }
0x81: {  	_ =	shalt  }
0x82: {  	_ =	shalt  }
0x83: {  	_ =	shalt  }
0x84: {  	_ =	shalt  }
0x85: {  	_ =	shalt  }
0x86: {  	_ =	shalt  }
0x87: {  	_ =	shalt  }
.Lfunc_end0:
.L_simem_size_0:
called_computation_lowered:
.L_overlay_start_0:
0x88: {  	s2 =	sld [smem:$0x3FD9]  }
0x89: {  	s3 =	sld [smem:$0x3FFE];
	_ =	sdelay $0x1  }
0x8a: {  	s1 =	srdreg.scid  }
0x8b: {  	s0 =	sand.u32 $0x1, s1  }
0x8c: {  	s15 =	sshll.u32 s0, $0xA;
	s2 =	sadd.s32 s3, s2  }
0x8d: {  	s2 =	sadd.s32 s2, s15  }
0x8e: {  	[smem:$0x3FC5] =	sst s2  }
0x8f: {  	_ = 	snop  }
0x90: {  	s2 =	sld [smem:$0x3FD0]  }
0x91: {  	s16 =	sld [smem:$0x3FC9]  }
0x92: {  	s4 =	sld [smem:$0x3FC8]  }
0x93: {  	s6 =	simm.s32 $0xA;
	s7 =	simm.s32 $0x10;
	s5 =	sld [smem:$0x3FC7]  }
0x94: {  	[smem:s7], [sflag:s6] =	dma.local [hbm:s2], $0x1  }
0x95: {  	_ =	swait.eq [sflag:s6], $0x1  }
0x96: {  	[sflag:s6] =	ssyncset.done $0x0  }
0x97: {  	s17 =	sld [smem:$0x10];
	[sflag:s6] =	ssyncadd.s32 $0xFFFFFFFF  }
0x98: {  	s18 =	sld [smem:$0x11];
	(tm) =	ssettm $0x1  }
0x99: {  	s19 =	sld [smem:$0x3FFB];
	_ =	sdelay $0x3  }
0x9a: {  	_ =	strace s19  }
0x9b: {  	s7 =	sld [smem:$0x3FFC];
	_ =	sdelay $0x3  }
0x9c: {  	_ =	strace s7  }
0x9d: {  	s7 =	sld [smem:$0x3FFD];
	_ =	sdelay $0x3  }
0x9e: {  	_ =	strace s7  }
0x9f: {  	_ =	strace $0x8FFFFFFF  }
0xa0: {  	s20 =	sld [smem:$0x3FDB];
	_ =	sdelay $0x1  }
0xa1: {  	s8 =	simm.s32 $_scs_section_size  }
0xa2: {  	s9 =	simm.s32 $_size__tile_overlayer_lowered;
	s10 =	simm.s32 $_tile_overlayer_lowered  }
0xa3: {  	s23 =	simm.s32 $0x1BFF;
	s22 =	sshll.u32 s10, $0x1;
	s7 =	sadd.s32 s8, s20  }
0xa4: {  	s11 =	simm.s32 $0x0;
	s21 =	sshll.u32 s9, $0x1;
	s9 =	sadd.s32 s22, s7  }
0xa5: {  	[timem:s11], [sflag:s23] =	dma.local [hbm:s9], s21  }
0xa6: {  	_ =	swait.ge [sflag:s23], s21  }
0xa7: {  	s8 =	ssub.s32 $0x0, s21;
	[sflag:s23] =	ssyncset.done $0x0  }
0xa8: {  	[sflag:s23] =	ssyncadd.s32 s8;
	_ =	sdelay $0x1  }
0xa9: {  	s24 =	simm.s32 $0x1B8B  }
0xaa: {  	_ =	swait.ge [sflag:s24], $0x1  }
0xab: {  	[sflag:s24] =	ssyncset.done $0x0  }
0xac: {  	s25 =	simm.s32 $0x1B8E;
	[sflag:s24] =	ssyncadd.s32 $0xFFFFFFFF  }
0xad: {  	s26 =	simm.s32 $execute0_lowered;
	[smem:$0x3FD2] =	sst s25  }
0xae: {  	s8 =	sshll.u32 s26, $0x1;
	_ =	strace $0x80000046;
	[dreg:$0x1] =	wrdreg $0xFFFFFFFF  }
0xaf: {  	s28 =	simm.s32 $_size_execute0_lowered;
	s7 =	sadd.s32 s7, s8;
	[dreg:$0x0] =	wrdreg $0x0  }
0xb0: {  	s8 =	sshll.u32 s28, $0x1;
	[dreg:$0x2] =	wrdreg s7  }
0xb1: {  	[dreg:$0x3] =	wrdreg s8  }
0xb2: {  	[dreg:$0x4] =	wrdreg $0xC0  }
0xb3: {  	_ =	task [dreg:s11], $0x5FFFF  }
0xb4: {  	[dreg:$0x1] =	wrdreg $0xFFFFFFFF  }
0xb5: {  	[dreg:$0x0] =	wrdreg $0x60  }
0xb6: {  	[dreg:$0x2] =	wrdreg s16  }
0xb7: {  	[dreg:$0x3] =	wrdreg s4  }
0xb8: {  	[dreg:$0x4] =	wrdreg s5  }
0xb9: {  	[dreg:$0x5] =	wrdreg s17  }
0xba: {  	[dreg:$0x6] =	wrdreg s18  }
0xbb: {  	[dreg:$0x7] =	wrdreg $0x82000  }
0xbc: {  	[dreg:$0x8] =	wrdreg $0x9  }
0xbd: {  	_ =	task.clear_ibuf [dreg:s11], $0x9FFFF;
	_ =	strace $0x90000046  }
0xbe: {  	s29 =	simm.s32 $0x9;
	_ =	strace $0x80000048  }
0xbf: {  	_ =	swait.ge [sflag:s29], $0x1  }
0xc0: {  	[sflag:s29] =	ssyncadd.s32 $0xFFFFFFFF  }
0xc1: {  	_ =	strace $0x90000048  }
0xc2: {  	_ =	sfence  }
0xc3: {  	s30 =	sld [smem:$0x0];
	_ =	sdelay $0x2  }
0xc4: {  	s31 =	sshll.u32 s1, $0xD;
	s1 =	sshrl.u32 s1, $0x2  }
0xc5: {  	s3 =	sand.u32 $0x4000, s31;
	s1 =	sadd.s32 s1, s30  }
0xc6: {  	s0 =	sor.u32 s3, s0;
	s1 =	sshll.u32 s1, $0x11  }
0xc7: {  	s0 =	sor.u32 s1, s0  }
0xc8: {  	s0 =	sadd.s32 $0x8F2B, s0  }
0xc9: {  	[sflag:s0] =	ssyncadd.remote.s32 $0x1  }
0xca: {  	_ =	sfence.sel $0xFFFF  }
0xcb: {  	[dreg:$0x0] =	wrdreg $0xFFFFFFFF;
	(pc) =	sbr.abs _section_cstart, $3  }
0xcc: {  	[dreg:$0x1] =	wrdreg $0xFFFFFFFF  }
0xcd: {  	_ =	task.clear_ibuf [dreg:s11], $0x2FFFF;
	_ =	strace $0x9FFFFFFF  }
0xce: {  	(tm) =	ssettm $0x7FFFFFFF  }
0xcf: {  	_ =	shalt  }
tec
execute0_lowered:
.L_overlay_start_1:
0x0: {  	(tag) =	ssettag $0x1  }
0x1: {  	s0 =	rddreg [dreg:$0x0]  }
0x2: {  	s2 =	rddreg [dreg:$0x1]  }
0x3: {  	s1 =	rddreg [dreg:$0x2]  }
0x4: {  	s4 =	rddreg [dreg:$0x3]  }
0x5: {  	s7 =	rddreg [dreg:$0x4]  }
0x6: {  	s3 =	rddreg [dreg:$0x5];
	s13 =	stileid.u32  }
0x7: {  	s5 =	srdreg.scid;
	s8 =	smul.u32 $0x6A, s13  }
0x8: {  	s6 =	simm.s32 $0x0;
	s28 =	simm.s32 $0x1;
	s10 =	smul.u32 $0x34, s13  }
0x9: {  	s29 =	simm.s32 $0x2;
	s31 =	simm.s32 $0x0;
	s11 =	smul.u32 $0x4F000, s13  }
0xa: {  	s5 =	sand.u32 $0x1, s5;
	[smem:$0x7FF] =	sst s6;
	s21 =	smul.u32 $0x13C00, s13  }
0xb: {  	s18 =	ssub.s32 $0x2, s5;
	_ =	strace $0x80000047;
	p0 =	seq.s32 s5, $0x0  }
0xc: {  	s19 =	smul.u32 $0x13C000, s5;
	s5 =	simm.s32 $0x34;
	s9 =	sshrl.u32 s18, $0x1  }
0xd: {  	s8 =	sadd.s32 $0x340, s8;
	s20 =	sshrl.u32 s11, $0x2;
	s5 =	simm.s32 @!p0 $0x6A  }
0xe: {  	s12 =	ssub.s32 s18, s9;
	s8 =	smov.u32 @p0 s10;
	s16 =	sadd.s32 s20, s3  }
0xf: {  	s10 =	sadd.s32 s21, s19;
	s13 =	sadd.s32 $0xFFFFFFFF, s5;
	s26 =	sshll.u32 s5, $0x4  }
0x10: {  	s19 =	sadd.s32 $0xFFFFFFFE, s5;
	s21 =	simm.s32 $0x200;
	s25 =	smax.u32 s12, $0x1  }
0x11: {  	s22 =	sshll.u32 s8, $0x4;
	s17 =	sadd.s32 $0x10000, s16;
	[dreg:$0xc] =	wrdreg s25  }
0x12: {  	s10 =	sshrl.u32 s10, $0x3;
	s18 =	sadd.s32 $0x4000, s16;
	[dreg:$0x9] =	wrdreg s17  }
0x13: {  	s20 =	sadd.s32 $0x8000, s16;
	s8 =	sadd.s32 s0, s22;
	[dreg:$0xd] =	wrdreg s18  }
0x14: {  	s9 =	sadd.s32 s2, s22;
	s23 =	sadd.s32 s4, s10;
	[dreg:$0xe] =	wrdreg s20  }
0x15: {  	s11 =	sor.u32 $0x10, s22;
	s24 =	sadd.s32 s7, s10;
	[dreg:$0xa] =	wrdreg s23  }
.Ltmp0:
0x16: {  	s0 =	sadd.s32 s0, s11;
	[dreg:$0xb] =	wrdreg s24;
	(pc) =	sbr.rel .LBB2_1-.Ltmp0, $4  }
0x17: {  	s22 =	simm.s32 $0x3;
	s30 =	sadd.s32 $0x30, s9;
	[dreg:$0x8] =	wrdreg s0  }
0x18: {  	s25 =	simm.s32 $0x180;
	s24 =	sadd.s32 $0xC000, s16;
	[dreg:$0x10] =	wrdreg s30  }
0x19: {  	s11 =	sadd.s32 s2, s11;
	s0 =	sadd.s32 $0xFFFFFFE0, s26;
	[dreg:$0xf] =	wrdreg s24  }
0x1a: {  	v0 =	vimm.f32 $0.0e+00;
	v1 =	vimm.f32 $1.000000000e+00;
	s23 =	simm.s32 $0x80;
	s26 =	simm.s32 $0x4200;
	[dreg:$0x7] =	wrdreg s0  }
.LBB2_17:
0x1b: {  	[spmem:s3] =	stream.indirect.scatter.add.f32 [tilespmem:s21], [sflag:$0x1], $0x80, s23, s23, $0xb8;
	[tilespmem:$0x1BE00] =	vst v63  }
.LBB2_18:
0x1c: {  	_ =	swait.ge [sflag:s29], $0x4000  }
0x1d: {  	s0 =	simm.s32 @!p1 $0x0;
	[sflag:s29] =	ssyncset.done $0x0  }
0x1e: {  	s4 =	simm.s32 @!p1 $0x180;
	s2 =	rddreg [dreg:$0x12];
	[sflag:s29] =	ssyncadd.s32 $0xFFFFC000  }
0x1f: {  	[tilespmem:s4], [sflag:$0x3] =	stream.linear.gather @!p1 [hbm4b:s2+s0], $0x80, $0x38;
	[tilespmem:$0x1BE00] =	vst v63  }
0x20: {  	s0 =	simm.s32 @!p1 $0x3  }
0x21: {  	_ =	swait.ge @!p1 [sflag:s0], $0x80  }
0x22: {  	[sflag:s0] =	ssyncset.done @!p1 $0x0  }
0x23: {  	[sflag:s0] =	ssyncadd.s32 @!p1 $0xFFFFFF80  }
.LBB2_19:
0x24: {  	[bflag:$0x0] =	sbarrier.arrive $0xFFFF  }
0x25: {  	s0 =	rddreg [dreg:$0xb]  }
0x26: {  	[hbm:s0], [sflag:s10] =	dma.local [spmem:s12], $0x2780  }
0x27: {  	_ =	swait.ge [sflag:s22], $0x2780  }
0x28: {  	s31 =	sadd.s32 $0x1, s31;
	s30 =	rddreg [dreg:$0xc]  }
0x29: {  	p0 =	sne.s32 s31, s30  }
.Ltmp1:
0x2a: {  	_ = 	snop;
	(pc) =	sbr.rel @!p0 .LBB2_20-.Ltmp1, $3  }
0x2b: {  	_ =	sdelay $0x1  }
0x2c: {  	[sflag:s22] =	ssyncset.done $0x0  }
0x2d: {  	[sflag:s22] =	ssyncadd.s32 $0xFFFFD880  }
.LBB2_1:
0x2e: {  	s0 =	simm.s32 $0x0;
	s2 =	simm.s32 $0x200  }
.LBB2_2:
0x2f: {  	p0 =	sne.s32 s2, $0xFE00;
	[tilespmem:s0+$0x270] =	vst v0  }
0x30: {  	[tilespmem:s0+$0x200] =	vst v0  }
0x31: {  	[tilespmem:s0+$0x210] =	vst v0  }
.Ltmp2:
0x32: {  	[tilespmem:s0+$0x220] =	vst v0;
	(pc) =	sbr.rel @p0 .LBB2_2-.Ltmp2, $4  }
0x33: {  	[tilespmem:s0+$0x230] =	vst v0  }
0x34: {  	[tilespmem:s0+$0x240] =	vst v0  }
0x35: {  	[tilespmem:s0+$0x250] =	vst v0  }
0x36: {  	[tilespmem:s0+$0x260] =	vst v0;
	s0 =	sshra.s32 s2, $0x2;
	s2 =	sadd.s32 $0x200, s2  }
0x37: {  	[tilespmem:s0+$0x270] =	vst v0  }
0x38: {  	[tilespmem:s0+$0x200] =	vst v0  }
0x39: {  	[tilespmem:s0+$0x210] =	vst v0  }
0x3a: {  	[tilespmem:s0+$0x220] =	vst v0  }
0x3b: {  	[tilespmem:s0+$0x230] =	vst v0  }
0x3c: {  	[tilespmem:s0+$0x240] =	vst v0  }
0x3d: {  	[tilespmem:s0+$0x250] =	vst v0  }
0x3e: {  	[tilespmem:s0+$0x260] =	vst v0  }
0x3f: {  	[spmem:s16] =	stream.linear.scatter [tilespmem:s21], [sflag:$0x3], $0x4000, $0x38;
	[tilespmem:$0x1BE00] =	vst v63  }
0x40: {  	_ =	swait.ge [sflag:s22], $0x4000  }
0x41: {  	[sflag:s22] =	ssyncset.done $0x0  }
0x42: {  	[sflag:s22] =	ssyncadd.s32 $0xFFFFC000  }
0x43: {  	[spmem:s18] =	stream.linear.scatter [tilespmem:s21], [sflag:$0x3], $0x4000, $0x38;
	[tilespmem:$0x1BE00] =	vst v63  }
0x44: {  	_ =	swait.ge [sflag:s22], $0x4000  }
0x45: {  	[sflag:s22] =	ssyncset.done $0x0  }
0x46: {  	[sflag:s22] =	ssyncadd.s32 $0xFFFFC000  }
0x47: {  	[spmem:s20] =	stream.linear.scatter [tilespmem:s21], [sflag:$0x3], $0x4000, $0x38;
	[tilespmem:$0x1BE00] =	vst v63  }
0x48: {  	_ =	swait.ge [sflag:s22], $0x4000  }
0x49: {  	[sflag:s22] =	ssyncset.done $0x0  }
0x4a: {  	[sflag:s22] =	ssyncadd.s32 $0xFFFFC000  }
0x4b: {  	[spmem:s24] =	stream.linear.scatter [tilespmem:s21], [sflag:$0x3], $0x4000, $0x38;
	[tilespmem:$0x1BE00] =	vst v63  }
0x4c: {  	_ =	swait.ge [sflag:s22], $0x4000  }
0x4d: {  	[sflag:s22] =	ssyncset.done $0x0  }
0x4e: {  	[sflag:s22] =	ssyncadd.s32 $0xFFFFC000  }
0x4f: {  	[spmem:s17] =	stream.linear.scatter [tilespmem:s21], [sflag:$0x3], $0x3C00, $0x38;
	[tilespmem:$0x1BE00] =	vst v63  }
0x50: {  	_ =	swait.ge [sflag:s22], $0x3C00  }
0x51: {  	[sflag:s22] =	ssyncset.done $0x0  }
0x52: {  	[sflag:s22] =	ssyncadd.s32 $0xFFFFC400  }
0x53: {  	s0 =	simm.s32 $0x0;
	[bflag:$0x0] =	sbarrier.arrive $0xFFFF  }
0x54: {  	[tilespmem:s0], [sflag:$0x3] =	stream.linear.gather [hbm4b:s8+s0], $0x80, $0x38;
	[tilespmem:$0x1BE00] =	vst v63  }
0x55: {  	_ =	swait.ge [sflag:s22], $0x80  }
0x56: {  	[sflag:s22] =	ssyncset.done $0x0  }
0x57: {  	[sflag:s22] =	ssyncadd.s32 $0xFFFFFF80  }
0x58: {  	[tilespmem:s23], [sflag:$0x3] =	stream.linear.gather [hbm4b:s9+s0], $0x80, $0x38;
	[tilespmem:$0x1BE00] =	vst v63  }
0x59: {  	_ =	swait.ge [sflag:s22], $0x80  }
0x5a: {  	[sflag:s22] =	ssyncset.done $0x0  }
0x5b: {  	[sflag:s22] =	ssyncadd.s32 $0xFFFFFF80  }
0x5c: {  	[tilespmem:s21], [sflag:$0x1] =	stream.indirect.gather [hbm4b:s1+s23], $0x80, s0, s23, $0xb8;
	[tilespmem:$0x1BE00] =	vst v63  }
0x5d: {  	s4 =	simm.s32 $0x100;
	s2 =	rddreg [dreg:$0x8]  }
0x5e: {  	[tilespmem:s4], [sflag:$0x3] =	stream.linear.gather [hbm4b:s2+s0], $0x80, $0x38;
	[tilespmem:$0x1BE00] =	vst v63  }
0x5f: {  	_ =	swait.ge [sflag:s22], $0x80  }
0x60: {  	[sflag:s22] =	ssyncset.done $0x0  }
0x61: {  	[sflag:s22] =	ssyncadd.s32 $0xFFFFFF80  }
0x62: {  	[tilespmem:s25], [sflag:$0x3] =	stream.linear.gather [hbm4b:s11+s0], $0x80, $0x38;
	[tilespmem:$0x1BE00] =	vst v63  }
0x63: {  	_ =	swait.ge [sflag:s22], $0x80  }
0x64: {  	[sflag:s22] =	ssyncset.done $0x0  }
0x65: {  	[sflag:s22] =	ssyncadd.s32 $0xFFFFFF80  }
0x66: {  	[tilespmem:s26], [sflag:$0x2] =	stream.indirect.gather [hbm4b:s1+s23], $0x80, s4, s23, $0xb8;
	[tilespmem:$0x1BE00] =	vst v63  }
0x67: {  	s2 =	simm.s32 $0x1;
	s4 =	simm.s32 $0x0  }
.LBB2_4:
0x68: {  	_ =	swait.ge [sflag:s28], $0x4000  }
0x69: {  	[sflag:s28] =	ssyncset.done $0x0  }
0x6a: {  	s7 =	smov.u32 s0;
	s0 =	sadd.s32 $0x2, s0;
	[sflag:s28] =	ssyncadd.s32 $0xFFFFC000  }
0x6b: {  	[spmem:s3] =	stream.indirect.scatter.add.f32 [tilespmem:s21], [sflag:$0x3], $0x80, s23, s23, $0xb8;
	[tilespmem:$0x1BE00] =	vst v63  }
0x6c: {  	p0 =	sge.u32 s0, s5;
	_ =	swait.ge [sflag:s22], $0x4000  }
0x6d: {  	s10 =	sadd.s32 @!p0 s4, s8;
	[sflag:s22] =	ssyncset.done $0x0  }
0x6e: {  	s12 =	simm.s32 @!p0 $0x0;
	s10 =	sadd.s32 @!p0 $0x20, s10;
	[sflag:s22] =	ssyncadd.s32 $0xFFFFC000  }
0x6f: {  	[tilespmem:s12], [sflag:$0x3] =	stream.linear.gather @!p0 [hbm4b:s10+s12], $0x80, $0x38;
	[tilespmem:$0x1BE00] =	vst v63  }
0x70: {  	s10 =	simm.s32 @!p0 $0x3  }
0x71: {  	_ =	swait.ge @!p0 [sflag:s10], $0x80  }
0x72: {  	s14 =	sadd.s32 @!p0 s4, s9;
	[sflag:s10] =	ssyncset.done @!p0 $0x0  }
0x73: {  	s15 =	simm.s32 @!p0 $0x80;
	s14 =	sadd.s32 @!p0 $0x20, s14;
	[sflag:s10] =	ssyncadd.s32 @!p0 $0xFFFFFF80  }
0x74: {  	[tilespmem:s15], [sflag:$0x3] =	stream.linear.gather @!p0 [hbm4b:s14+s12], $0x80, $0x38;
	[tilespmem:$0x1BE00] =	vst v63  }
0x75: {  	_ =	swait.ge @!p0 [sflag:s10], $0x80  }
0x76: {  	[sflag:s10] =	ssyncset.done @!p0 $0x0  }
0x77: {  	[sflag:s10] =	ssyncadd.s32 @!p0 $0xFFFFFF80;
	s10 =	simm.s32 @!p0 $0x200  }
0x78: {  	[tilespmem:s10], [sflag:$0x1] =	stream.indirect.gather @!p0 [hbm4b:s1+s15], $0x80, s12, s15, $0xb8;
	[tilespmem:$0x1BE00] =	vst v63  }
0x79: {  	_ =	swait.ge [sflag:s29], $0x4000  }
0x7a: {  	s7 =	sadd.s32 $0x3, s7;
	[sflag:s29] =	ssyncset.done $0x0  }
0x7b: {  	p1 =	sge.u32 s7, s5;
	[sflag:s29] =	ssyncadd.s32 $0xFFFFC000  }
0x7c: {  	[spmem:s3] =	stream.indirect.scatter.add.f32 [tilespmem:s26], [sflag:$0x3], $0x80, s25, s23, $0xb8;
	[tilespmem:$0x1BE00] =	vst v63  }
0x7d: {  	s7 =	sadd.s32 @!p1 s4, s8;
	_ =	swait.ge [sflag:s22], $0x4000  }
0x7e: {  	s7 =	sadd.s32 @!p1 $0x30, s7;
	[sflag:s22] =	ssyncset.done $0x0  }
0x7f: {  	s10 =	simm.s32 @!p1 $0x0;
	s12 =	simm.s32 @!p1 $0x100;
	[sflag:s22] =	ssyncadd.s32 $0xFFFFC000  }
0x80: {  	[tilespmem:s12], [sflag:$0x3] =	stream.linear.gather @!p1 [hbm4b:s7+s10], $0x80, $0x38;
	[tilespmem:$0x1BE00] =	vst v63  }
0x81: {  	s7 =	simm.s32 @!p1 $0x3  }
0x82: {  	_ =	swait.ge @!p1 [sflag:s7], $0x80  }
0x83: {  	s14 =	sadd.s32 @!p1 s4, s9;
	[sflag:s7] =	ssyncset.done @!p1 $0x0  }
0x84: {  	s14 =	sadd.s32 @!p1 $0x30, s14;
	s15 =	simm.s32 @!p1 $0x180;
	[sflag:s7] =	ssyncadd.s32 @!p1 $0xFFFFFF80  }
0x85: {  	[tilespmem:s15], [sflag:$0x3] =	stream.linear.gather @!p1 [hbm4b:s14+s10], $0x80, $0x38;
	[tilespmem:$0x1BE00] =	vst v63  }
0x86: {  	_ =	swait.ge @!p1 [sflag:s7], $0x80  }
0x87: {  	s4 =	sadd.s32 $0x20, s4;
	s10 =	simm.s32 @!p1 $0x4200;
	[sflag:s7] =	ssyncset.done @!p1 $0x0  }
0x88: {  	s30 =	rddreg [dreg:$0x7];
	[sflag:s7] =	ssyncadd.s32 @!p1 $0xFFFFFF80;
	s7 =	simm.s32 @!p1 $0x80  }
0x89: {  	[tilespmem:s10], [sflag:$0x2] =	stream.indirect.gather @!p1 [hbm4b:s1+s7], $0x80, s12, s7, $0xb8;
	[tilespmem:$0x1BE00] =	vst v63  }
0x8a: {  	p1 =	sne.s32 s30, s4  }
.Ltmp3:
0x8b: {  	_ = 	snop;
	(pc) =	sbr.rel @p1 .LBB2_4-.Ltmp3, $2  }
0x8c: {  	_ =	sdelay $0x2  }
0x8d: {  	s14 =	smov.u32 s2;
	s2 =	sadd.s32 $0x1, s2  }
0x8e: {  	_ =	swait.ge [sflag:s28], $0x4000  }
0x8f: {  	[sflag:s28] =	ssyncset.done $0x0  }
0x90: {  	s2 =	sadd.s32 $0x2, s0;
	[sflag:s28] =	ssyncadd.s32 $0xFFFFC000  }
0x91: {  	[spmem:s3] =	stream.indirect.scatter.add.f32 [tilespmem:s21], [sflag:$0x3], $0x80, s23, s23, $0xb8;
	[tilespmem:$0x1BE00] =	vst v63  }
0x92: {  	p1 =	sge.u32 s2, s5;
	_ =	swait.ge [sflag:s22], $0x4000  }
0x93: {  	[dreg:$0x11] =	wrdreg s2;
	s2 =	sadd.s32 @!p1 s4, s8;
	[sflag:s22] =	ssyncset.done $0x0  }
0x94: {  	s7 =	simm.s32 @!p1 $0x0;
	s2 =	sadd.s32 @!p1 $0x20, s2;
	[sflag:s22] =	ssyncadd.s32 $0xFFFFC000  }
0x95: {  	[tilespmem:s7], [sflag:$0x3] =	stream.linear.gather @!p1 [hbm4b:s2+s7], $0x80, $0x38;
	[tilespmem:$0x1BE00] =	vst v63  }
0x96: {  	s2 =	simm.s32 @!p1 $0x3  }
0x97: {  	_ =	swait.ge @!p1 [sflag:s2], $0x80  }
0x98: {  	s10 =	sadd.s32 @!p1 s4, s9;
	[sflag:s2] =	ssyncset.done @!p1 $0x0  }
0x99: {  	s12 =	simm.s32 @!p1 $0x80;
	s10 =	sadd.s32 @!p1 $0x20, s10;
	[sflag:s2] =	ssyncadd.s32 @!p1 $0xFFFFFF80  }
0x9a: {  	[tilespmem:s12], [sflag:$0x3] =	stream.linear.gather @!p1 [hbm4b:s10+s7], $0x80, $0x38;
	[tilespmem:$0x1BE00] =	vst v63  }
0x9b: {  	s6 =	simm.s32 @!p1 $0x0;
	_ =	swait.ge @!p1 [sflag:s2], $0x80  }
0x9c: {  	s6 =	simm.s32 @p1 $0x1;
	[sflag:s2] =	ssyncset.done @!p1 $0x0  }
0x9d: {  	[smem:$0x7FD] =	sst s6;
	[sflag:s2] =	ssyncadd.s32 @!p1 $0xFFFFFF80;
	s2 =	simm.s32 @!p1 $0x200  }
0x9e: {  	[tilespmem:s2], [sflag:$0x1] =	stream.indirect.gather @!p1 [hbm4b:s1+s12], $0x80, s7, s12, $0xb8;
	[tilespmem:$0x1BE00] =	vst v63  }
0x9f: {  	_ =	swait.ge [sflag:s29], $0x4000  }
0xa0: {  	s10 =	sadd.s32 $0x3, s0;
	[sflag:s29] =	ssyncset.done $0x0  }
0xa1: {  	p1 =	sge.u32 s10, s5;
	[sflag:s29] =	ssyncadd.s32 $0xFFFFC000  }
0xa2: {  	[spmem:s3] =	stream.indirect.scatter.add.f32 [tilespmem:s26], [sflag:$0x3], $0x80, s25, s23, $0xb8;
	[tilespmem:$0x1BE00] =	vst v63  }
0xa3: {  	s2 =	sadd.s32 @!p1 s4, s8;
	_ =	swait.ge [sflag:s22], $0x4000  }
0xa4: {  	s7 =	simm.s32 @!p1 $0x0;
	s10 =	simm.s32 @!p1 $0x100;
	[sflag:s22] =	ssyncset.done $0x0  }
0xa5: {  	s12 =	simm.s32 @!p1 $0x3;
	s2 =	sadd.s32 @!p1 $0x30, s2;
	[sflag:s22] =	ssyncadd.s32 $0xFFFFC000  }
0xa6: {  	[tilespmem:s10], [sflag:$0x3] =	stream.linear.gather @!p1 [hbm4b:s2+s7], $0x80, $0x38;
	[tilespmem:$0x1BE00] =	vst v63  }
0xa7: {  	s2 =	sadd.s32 @!p1 s4, s9;
	_ =	swait.ge @!p1 [sflag:s12], $0x80  }
0xa8: {  	s2 =	sadd.s32 @!p1 $0x30, s2;
	[sflag:s12] =	ssyncset.done @!p1 $0x0  }
0xa9: {  	s15 =	simm.s32 @!p1 $0x180;
	[dreg:$0x12] =	wrdreg s2;
	[sflag:s12] =	ssyncadd.s32 @!p1 $0xFFFFFF80  }
0xaa: {  	[tilespmem:s15], [sflag:$0x3] =	stream.linear.gather @!p1 [hbm4b:s2+s7], $0x80, $0x38;
	[tilespmem:$0x1BE00] =	vst v63  }
0xab: {  	_ =	swait.ge @!p1 [sflag:s12], $0x80  }
0xac: {  	[sflag:s12] =	ssyncset.done @!p1 $0x0  }
0xad: {  	s7 =	simm.s32 @!p1 $0x80;
	[sflag:s12] =	ssyncadd.s32 @!p1 $0xFFFFFF80;
	s12 =	simm.s32 @!p1 $0x4200  }
0xae: {  	[tilespmem:s12], [sflag:$0x2] =	stream.indirect.gather @!p1 [hbm4b:s1+s7], $0x80, s10, s7, $0xb8;
	[tilespmem:$0x1BE00] =	vst v63  }
0xaf: {  	s12 =	stileid.u32  }
0xb0: {  	s15 =	sshll.u32 s12, $0x6;
	[bflag:$0x0] =	sbarrier.arrive $0xFFFF  }
0xb1: {  	s12 =	sshrl.u32 s16, $0x3;
	s10 =	sor.u32 $0x1C03, s15;
	s30 =	rddreg [dreg:$0xa]  }
0xb2: {  	[hbm:s30], [sflag:s10] =	dma.local [spmem:s12], $0x2780  }
0xb3: {  	_ =	swait.ge [sflag:s22], $0x2780  }
0xb4: {  	[sflag:s22] =	ssyncset.done $0x0  }
0xb5: {  	s7 =	simm.s32 $0x200;
	s15 =	simm.s32 $0x0;
	[sflag:s22] =	ssyncadd.s32 $0xFFFFD880  }
.LBB2_6:
0xb6: {  	p3 =	sne.s32 s7, $0xFE00;
	[tilespmem:s15+$0x270] =	vst v0  }
0xb7: {  	[tilespmem:s15+$0x200] =	vst v0  }
0xb8: {  	[tilespmem:s15+$0x210] =	vst v0  }
.Ltmp4:
0xb9: {  	[tilespmem:s15+$0x220] =	vst v0;
	(pc) =	sbr.rel @p3 .LBB2_6-.Ltmp4, $4  }
0xba: {  	[tilespmem:s15+$0x230] =	vst v0  }
0xbb: {  	[tilespmem:s15+$0x240] =	vst v0  }
0xbc: {  	[tilespmem:s15+$0x250] =	vst v0  }
0xbd: {  	[tilespmem:s15+$0x260] =	vst v0;
	s15 =	sshra.s32 s7, $0x2;
	s7 =	sadd.s32 $0x200, s7  }
0xbe: {  	[tilespmem:s15+$0x270] =	vst v0  }
0xbf: {  	[tilespmem:s15+$0x200] =	vst v0  }
0xc0: {  	[tilespmem:s15+$0x210] =	vst v0  }
0xc1: {  	[tilespmem:s15+$0x220] =	vst v0  }
0xc2: {  	[tilespmem:s15+$0x230] =	vst v0  }
0xc3: {  	[tilespmem:s15+$0x240] =	vst v0  }
0xc4: {  	[tilespmem:s15+$0x250] =	vst v0  }
0xc5: {  	[tilespmem:s15+$0x260] =	vst v0  }
0xc6: {  	[spmem:s16] =	stream.linear.scatter [tilespmem:s21], [sflag:$0x3], $0x4000, $0x38;
	[tilespmem:$0x1BE00] =	vst v63  }
0xc7: {  	_ =	swait.ge [sflag:s22], $0x4000  }
0xc8: {  	[sflag:s22] =	ssyncset.done $0x0  }
0xc9: {  	[sflag:s22] =	ssyncadd.s32 $0xFFFFC000  }
0xca: {  	[spmem:s18] =	stream.linear.scatter [tilespmem:s21], [sflag:$0x3], $0x4000, $0x38;
	[tilespmem:$0x1BE00] =	vst v63  }
0xcb: {  	_ =	swait.ge [sflag:s22], $0x4000  }
0xcc: {  	[sflag:s22] =	ssyncset.done $0x0  }
0xcd: {  	[sflag:s22] =	ssyncadd.s32 $0xFFFFC000  }
0xce: {  	[spmem:s20] =	stream.linear.scatter [tilespmem:s21], [sflag:$0x3], $0x4000, $0x38;
	[tilespmem:$0x1BE00] =	vst v63  }
0xcf: {  	_ =	swait.ge [sflag:s22], $0x4000  }
0xd0: {  	[sflag:s22] =	ssyncset.done $0x0  }
0xd1: {  	[sflag:s22] =	ssyncadd.s32 $0xFFFFC000  }
0xd2: {  	[spmem:s24] =	stream.linear.scatter [tilespmem:s21], [sflag:$0x3], $0x4000, $0x38;
	[tilespmem:$0x1BE00] =	vst v63  }
0xd3: {  	_ =	swait.ge [sflag:s22], $0x4000  }
0xd4: {  	[sflag:s22] =	ssyncset.done $0x0  }
0xd5: {  	[sflag:s22] =	ssyncadd.s32 $0xFFFFC000  }
0xd6: {  	[spmem:s17] =	stream.linear.scatter [tilespmem:s21], [sflag:$0x3], $0x3C00, $0x38;
	[tilespmem:$0x1BE00] =	vst v63  }
0xd7: {  	_ =	swait.ge [sflag:s22], $0x3C00  }
0xd8: {  	s30 =	smov.u32 s16;
	[sflag:s22] =	ssyncset.done $0x0  }
0xd9: {  	s15 =	simm.s32 $0x0;
	s7 =	simm.s32 $0x200;
	[sflag:s22] =	ssyncadd.s32 $0xFFFFC400  }
.LBB2_8:
0xda: {  	p3 =	sne.s32 s7, $0xFE00;
	[tilespmem:s15+$0x270] =	vst v1  }
0xdb: {  	[tilespmem:s15+$0x200] =	vst v1  }
0xdc: {  	[tilespmem:s15+$0x210] =	vst v1  }
.Ltmp5:
0xdd: {  	[tilespmem:s15+$0x220] =	vst v1;
	(pc) =	sbr.rel @p3 .LBB2_8-.Ltmp5, $4  }
0xde: {  	[tilespmem:s15+$0x230] =	vst v1  }
0xdf: {  	[tilespmem:s15+$0x240] =	vst v1  }
0xe0: {  	[tilespmem:s15+$0x250] =	vst v1  }
0xe1: {  	[tilespmem:s15+$0x260] =	vst v1;
	s15 =	sshra.s32 s7, $0x2;
	s7 =	sadd.s32 $0x200, s7  }
0xe2: {  	[tilespmem:s15+$0x270] =	vst v1  }
0xe3: {  	[tilespmem:s15+$0x200] =	vst v1  }
0xe4: {  	[tilespmem:s15+$0x210] =	vst v1  }
0xe5: {  	[tilespmem:s15+$0x220] =	vst v1  }
0xe6: {  	[tilespmem:s15+$0x230] =	vst v1  }
0xe7: {  	[tilespmem:s15+$0x240] =	vst v1  }
0xe8: {  	[tilespmem:s15+$0x250] =	vst v1  }
0xe9: {  	[tilespmem:s15+$0x260] =	vst v1;
	s15 =	simm.s32 $0x0  }
0xea: {  	[tilespmem:s23], [sflag:$0x3] =	stream.linear.gather [hbm4b:s9+s15], $0x80, $0x38;
	[tilespmem:$0x1BE00] =	vst v63  }
0xeb: {  	_ =	swait.ge [sflag:s22], $0x80  }
0xec: {  	[sflag:s22] =	ssyncset.done $0x0  }
0xed: {  	[sflag:s22] =	ssyncadd.s32 $0xFFFFFF80  }
0xee: {  	[tilespmem:s25], [sflag:$0x3] =	stream.linear.gather [hbm4b:s11+s15], $0x80, $0x38;
	[tilespmem:$0x1BE00] =	vst v63  }
0xef: {  	_ =	swait.ge [sflag:s22], $0x80  }
0xf0: {  	p3 =	sle.u32 s5, $0x0;
	[sflag:s22] =	ssyncset.done $0x0  }
0xf1: {  	s2 =	smov.u32 s11;
	p4 =	sle.u32 @!p3 s13, $0x0;
	[sflag:s22] =	ssyncadd.s32 $0xFFFFFF80  }
0xf2: {  	s7 =	simm.s32 @!p3 $0x1;
	p4 =	por p4, p3;
	[bflag:$0x0] =	sbarrier.arrive $0xFFFF  }
0xf3: {  	[spmem:s3] =	stream.indirect.scatter.add.f32 [tilespmem:s21], [sflag:$0x1], $0x80, s23, s23, $0xb8;
	[tilespmem:$0x1BE00] =	vst v63  }
0xf4: {  	s24 =	simm.s32 @!p4 $0x80;
	s16 =	simm.s32 @!p4 $0x200;
	s11 =	simm.s32 @!p4 $0x180  }
0xf5: {  	[spmem:s3] =	stream.indirect.scatter.add.f32 @!p4 [tilespmem:s16], [sflag:$0x2], $0x80, s11, s24, $0xb8;
	[tilespmem:$0x1BE00] =	vst v63  }
0xf6: {  	p4 =	sle.u32 @!p3 s5, $0x2;
	_ =	swait.ge @!p3 [sflag:s7], $0x4000  }
0xf7: {  	p4 =	por p4, p3;
	[sflag:s7] =	ssyncset.done @!p3 $0x0;
	s6 =	rddreg [dreg:$0x10]  }
0xf8: {  	s11 =	simm.s32 @!p4 $0x0;
	s16 =	simm.s32 @!p4 $0x80;
	s24 =	simm.s32 @!p4 $0x4  }
0xf9: {  	[sflag:s7] =	ssyncadd.s32 @!p3 $0xFFFFC000;
	s7 =	sadd.s32 @!p4 $0xFFFFFFF0, s6;
	p3 =	sle.u32 s13, $0x0  }
0xfa: {  	[tilespmem:s16], [sflag:$0x4] =	stream.linear.gather @!p4 [hbm4b:s7+s11], $0x80, $0x38;
	[tilespmem:$0x1BE00] =	vst v63  }
0xfb: {  	p5 =	sle.u32 @!p3 s19, $0x0;
	_ =	swait.ge @!p4 [sflag:s24], $0x80  }
0xfc: {  	s7 =	simm.s32 @!p3 $0x2;
	p5 =	por p5, p3;
	[sflag:s24] =	ssyncset.done @!p4 $0x0  }
0xfd: {  	s11 =	simm.s32 @!p5 $0x80;
	s16 =	simm.s32 @!p5 $0x200;
	[sflag:s24] =	ssyncadd.s32 @!p4 $0xFFFFFF80  }
0xfe: {  	[spmem:s3] =	stream.indirect.scatter.add.f32 @!p5 [tilespmem:s16], [sflag:$0x1], $0x80, s11, s11, $0xb8;
	[tilespmem:$0x1BE00] =	vst v63  }
0xff: {  	_ =	swait.ge @!p3 [sflag:s7], $0x4000  }
0x100: {  	s14 =	sadd.s32 $0xFFFFFFFF, s14;
	p4 =	sle.u32 @!p3 s5, $0x3;
	[sflag:s7] =	ssyncset.done @!p3 $0x0  }
0x101: {  	p4 =	por p4, p3;
	[sflag:s7] =	ssyncadd.s32 @!p3 $0xFFFFC000;
	p3 =	sne.s32 s14, $0x0  }
.Ltmp6:
0x102: {  	_ = 	snop;
	(pc) =	sbr.rel @!p3 .LBB2_11-.Ltmp6, $4  }
0x103: {  	_ = 	snop  }
0x104: {  	s24 =	sadd.s32 $0x20, s6  }
0x105: {  	s11 =	simm.s32 @!p4 $0x0;
	s16 =	simm.s32 @!p4 $0x180;
	s7 =	simm.s32 @!p4 $0x3  }
0x106: {  	[tilespmem:s16], [sflag:$0x3] =	stream.linear.gather @!p4 [hbm4b:s6+s11], $0x80, $0x38;
	[tilespmem:$0x1BE00] =	vst v63  }
.LBB2_10:
0x107: {  	s14 =	sadd.s32 $0xFFFFFFFF, s14;
	_ =	swait.ge @!p4 [sflag:s7], $0x80;
	s15 =	sadd.s32 $0x2, s15  }
0x108: {  	p5 =	sge.u32 s15, s5;
	p3 =	sne.s32 s14, $0x0;
	[sflag:s7] =	ssyncset.done @!p4 $0x0  }
0x109: {  	p6 =	sge.u32 @!p5 s15, s13;
	s11 =	sadd.s32 @!p5 $0x2, s15;
	[sflag:s7] =	ssyncadd.s32 @!p4 $0xFFFFFF80  }
0x10a: {  	s7 =	simm.s32 @!p5 $0x1;
	p4 =	por p6, p5;
	p6 =	sge.u32 @!p5 s11, s5  }
0x10b: {  	s11 =	simm.s32 @!p4 $0x80;
	s16 =	simm.s32 @!p4 $0x180;
	s17 =	simm.s32 @!p4 $0x200  }
0x10c: {  	[spmem:s3] =	stream.indirect.scatter.add.f32 @!p4 [tilespmem:s17], [sflag:$0x2], $0x80, s16, s11, $0xb8;
	[tilespmem:$0x1BE00] =	vst v63  }
0x10d: {  	s11 =	smov.u32 s24;
	_ =	swait.ge @!p5 [sflag:s7], $0x4000  }
0x10e: {  	p4 =	por p6, p5;
	[sflag:s7] =	ssyncset.done @!p5 $0x0  }
0x10f: {  	s16 =	simm.s32 @!p4 $0x0;
	[sflag:s7] =	ssyncadd.s32 @!p5 $0xFFFFC000;
	s7 =	sadd.s32 @!p4 $0xFFFFFFF0, s24  }
0x110: {  	s17 =	simm.s32 @!p4 $0x80;
	s18 =	simm.s32 @!p4 $0x4;
	p5 =	sge.u32 s15, s13  }
0x111: {  	p6 =	sge.u32 @!p5 s15, s19;
	s20 =	simm.s32 @!p5 $0x2;
	s6 =	sadd.s32 @!p5 $0x3, s15  }
0x112: {  	[tilespmem:s17], [sflag:$0x4] =	stream.linear.gather @!p4 [hbm4b:s7+s16], $0x80, $0x38;
	[tilespmem:$0x1BE00] =	vst v63  }
0x113: {  	p6 =	por p6, p5;
	p2 =	sge.u32 @!p5 s6, s5;
	_ =	swait.ge @!p4 [sflag:s18], $0x80  }
0x114: {  	s6 =	simm.s32 @!p6 $0x80;
	s7 =	simm.s32 @!p6 $0x200;
	[sflag:s18] =	ssyncset.done @!p4 $0x0  }
0x115: {  	[sflag:s18] =	ssyncadd.s32 @!p4 $0xFFFFFF80;
	p4 =	por p2, p5  }
0x116: {  	[spmem:s3] =	stream.indirect.scatter.add.f32 @!p6 [tilespmem:s7], [sflag:$0x1], $0x80, s6, s6, $0xb8;
	[tilespmem:$0x1BE00] =	vst v63  }
.Ltmp7:
0x117: {  	_ = 	snop;
	(pc) =	sbr.rel @p3 .LBB2_10-.Ltmp7, $4  }
0x118: {  	s6 =	simm.s32 @!p4 $0x0;
	s16 =	simm.s32 @!p4 $0x180;
	_ =	swait.ge @!p5 [sflag:s20], $0x4000  }
0x119: {  	s7 =	simm.s32 @!p4 $0x3;
	[sflag:s20] =	ssyncset.done @!p5 $0x0  }
0x11a: {  	s24 =	sadd.s32 $0x20, s24;
	[sflag:s20] =	ssyncadd.s32 @!p5 $0xFFFFC000  }
0x11b: {  	[tilespmem:s16], [sflag:$0x3] =	stream.linear.gather @!p4 [hbm4b:s11+s6], $0x80, $0x38;
	[tilespmem:$0x1BE00] =	vst v63  }
.LBB2_11:
.Ltmp8:
0x11c: {  	(pc) =	sbr.rel @p0 .LBB2_15-.Ltmp8, $4  }
0x11d: {  	_ = 	snop  }
0x11e: {  	_ =	swait.ge @!p4 [sflag:s7], $0x80  }
0x11f: {  	[sflag:s7] =	ssyncset.done @!p4 $0x0  }
0x120: {  	s16 =	smov.u32 s30;
	[sflag:s7] =	ssyncadd.s32 @!p4 $0xFFFFFF80  }
0x121: {  	p0 =	sge.u32 s0, s13  }
0x122: {  	s6 =	simm.s32 @!p0 $0x80;
	s7 =	simm.s32 @!p0 $0x180;
	s11 =	simm.s32 @!p0 $0x200  }
0x123: {  	[spmem:s3] =	stream.indirect.scatter.add.f32 @!p0 [tilespmem:s11], [sflag:$0x2], $0x80, s7, s6, $0xb8;
	[tilespmem:$0x1BE00] =	vst v63  }
0x124: {  	_ =	swait.ge [sflag:s28], $0x4000  }
0x125: {  	s30 =	rddreg [dreg:$0x11]  }
0x126: {  	p0 =	slt.u32 s30, s5  }
.Ltmp9:
0x127: {  	_ = 	snop;
	(pc) =	sbr.rel @!p0 .LBB2_14-.Ltmp9, $3  }
0x128: {  	_ =	sdelay $0x1  }
0x129: {  	[sflag:s28] =	ssyncset.done $0x0  }
0x12a: {  	s24 =	rddreg [dreg:$0xf];
	[sflag:s28] =	ssyncadd.s32 $0xFFFFC000  }
0x12b: {  	s4 =	sadd.s32 s4, s9  }
0x12c: {  	s6 =	simm.s32 $0x0;
	p0 =	slt.u32 s0, s13;
	s4 =	sadd.s32 $0x20, s4  }
0x12d: {  	[tilespmem:s23], [sflag:$0x4] =	stream.linear.gather [hbm4b:s4+s6], $0x80, $0x38;
	[tilespmem:$0x1BE00] =	vst v63  }
.Ltmp10:
0x12e: {  	s30 =	simm.s32 $0x4;
	(pc) =	sbr.rel @p0 .LBB2_17-.Ltmp10, $4  }
.Ltmp11:
0x12f: {  	_ =	swait.ge [sflag:s30], $0x80;
	(pc) =	sbr.rel @!p0 .LBB2_19-.Ltmp11, $4  }
0x130: {  	s17 =	rddreg [dreg:$0x9]  }
0x131: {  	[sflag:s30] =	ssyncset.done $0x0;
	s18 =	rddreg [dreg:$0xd]  }
0x132: {  	s11 =	smov.u32 s2;
	s20 =	rddreg [dreg:$0xe];
	[sflag:s30] =	ssyncadd.s32 $0xFFFFFF80  }
0x133: {  	_ = 	snop  }
.LBB2_15:
0x134: {  	p0 =	slt.u32 s0, s13  }
.Ltmp12:
0x135: {  	_ = 	snop;
	(pc) =	sbr.rel @!p0 .LBB2_19-.Ltmp12, $4  }
0x136: {  	s17 =	rddreg [dreg:$0x9]  }
0x137: {  	s18 =	rddreg [dreg:$0xd]  }
0x138: {  	s20 =	rddreg [dreg:$0xe]  }
0x139: {  	s11 =	smov.u32 s2;
	s24 =	rddreg [dreg:$0xf]  }
0x13a: {  	s0 =	sld [smem:$0x7FD];
	_ =	sdelay $0x2  }
0x13b: {  	p0 =	seq.s32 s0, $0x1  }
.Ltmp13:
0x13c: {  	_ = 	snop;
	(pc) =	sbr.rel @p0 .LBB2_18-.Ltmp13, $4  }
.Ltmp14:
0x13d: {  	_ = 	snop;
	(pc) =	sbr.rel @!p0 .LBB2_17-.Ltmp14, $4  }
0x13e: {  	_ = 	snop  }
0x13f: {  	_ = 	snop  }
0x140: {  	_ = 	snop  }
0x141: {  	_ = 	snop  }
.LBB2_14:
0x142: {  	p0 =	slt.u32 s0, s13  }
.Ltmp15:
0x143: {  	_ = 	snop;
	(pc) =	sbr.rel @p0 .LBB2_18-.Ltmp15, $4  }
.Ltmp16:
0x144: {  	_ = 	snop;
	(pc) =	sbr.rel @!p0 .LBB2_19-.Ltmp16, $4  }
0x145: {  	s17 =	rddreg [dreg:$0x9]  }
0x146: {  	s18 =	rddreg [dreg:$0xd]  }
0x147: {  	s11 =	smov.u32 s2;
	s20 =	rddreg [dreg:$0xe]  }
0x148: {  	_ = 	snop  }
.LBB2_20:
0x149: {  	_ =	sfence.sel $0x180000  }
0x14a: {  	[bflag:$0x0] =	sbarrier.arrive $0xFFFF  }
0x14b: {  	_ =	strace $0x90000047  }
0x14c: {  	s0 =	stileid.u32;
	[bflag:$0x2] =	sbarrier.arrive $0xFFFF  }
0x14d: {  	p0 =	sne.s32 s0, $0x0;
	s0 =	rddreg [dreg:$0x6]  }
0x14e: {  	s0 =	sadd.s32 @!p0 $0x100000, s0  }
0x14f: {  	[sflag:s0] =	ssyncadd.tile.s32 @!p0 $0x1;
	_ =	shalt  }
.Lfunc_end2:
_tile_overlayer_lowered:
.L_overlay_start_2:
0x150: {  	(tag) =	ssettag $0x2  }
0x151: {  	s0 =	rddreg [dreg:$0x0];
	s2 =	stileid.u32  }
0x152: {  	s1 =	rddreg [dreg:$0x1];
	p0 =	sne.s32 s2, $0x0  }
0x153: {  	s3 =	rddreg [dreg:$0x2];
	[bflag:$0x3] =	sbarrier.arrive $0xFFFF;
	s2 =	simm.s32 @!p0 $0x1C03  }
0x154: {  	[timem:s3], [sflag:s2] =	dma.local @!p0 [hbm:s0], s1  }
0x155: {  	s0 =	simm.s32 @!p0 $0x3  }
0x156: {  	_ =	swait.ge @!p0 [sflag:s0], s1  }
0x157: {  	s1 =	ssub.s32 @!p0 $0x0, s1;
	[sflag:s0] =	ssyncset.done @!p0 $0x0  }
0x158: {  	[sflag:s0] =	ssyncadd.s32 @!p0 s1  }
0x159: {  	[bflag:$0x3] =	sbarrier.arrive $0xFFFF  }
0x15a: {  	_ =	shalt  }

</sc_bundles>
